<compile_context>
chip_gen: v7x
topology: tpu7x:2x2x1
jax: 0.10.2.dev20260603
libtpu: 0.0.44.dev20260713+nightly
codegen_flags: <defaults>
</compile_context>

<pallas_src>
import functools

import jax
import jax.numpy as jnp
from jax import lax
from jax.experimental import pallas as pl
from jax.experimental.pallas import tpu as pltpu
from jax.experimental.pallas import tpu_sc as plsc

NUM_FEAT = 1000000
N_FIELD = 26
HIDDEN = 16
BATCH = 16384
N = BATCH * N_FIELD

NC = 2
NS = 16
NW = NC * NS

CHUNK = 1024
IDX_G = CHUNK // 128
BCHUNKS = BATCH // CHUNK
NCHUNKS = N_FIELD * BCHUNKS
CHUNKS_PER_W = NCHUNKS // NW


def _sc_body(x_hbm, cb_hbm, t_hbm, out_hbm, idx_v, g_v, res_v, cb_v,
             sem_g, sem_o):
    wid = lax.axis_index("s") * NC + lax.axis_index("c")
    pltpu.sync_copy(cb_hbm, cb_v)
    lane_off = lax.iota(jnp.int32, 16) * CHUNK

    def chunk_body(k, carry):
        chunk = wid * CHUNKS_PER_W + k
        f = chunk // BCHUNKS
        bc = chunk % BCHUNKS
        b0 = bc * CHUNK
        pltpu.sync_copy(x_hbm.at[f, bc], idx_v)
        cps = []
        for g in range(IDX_G):
            cps.append(pltpu.async_copy(
                t_hbm.at[idx_v.at[g]], g_v.at[pl.ds(g * 128, 128)], sem_g))
        for cp in cps:
            cp.wait()

        def row_body(r, c_):
            i = (b0 + r) * N_FIELD + f
            crow = cb_v[i // BATCH]
            v = g_v[r]
            res = jnp.where(v != v, crow, v)
            plsc.store_scatter(res_v, [lane_off + r], res)
            return c_

        lax.fori_loop(0, CHUNK, row_body, 0, unroll=4)
        ops = []
        for h in range(HIDDEN):
            ops.append(pltpu.async_copy(
                res_v.at[pl.ds(h * CHUNK, CHUNK)],
                out_hbm.at[f, h, pl.ds(b0, CHUNK)], sem_o))
        for op in ops:
            op.wait()
        return carry

    lax.fori_loop(0, CHUNKS_PER_W, chunk_body, 0)


@functools.partial(
    pl.kernel,
    out_type=jax.ShapeDtypeStruct((N_FIELD, HIDDEN, BATCH), jnp.float32),
    mesh=plsc.VectorSubcoreMesh(core_axis_name="c", subcore_axis_name="s",
                                num_cores=NC, num_subcores=NS),
    scratch_types=[
        pltpu.VMEM((IDX_G, 128), jnp.int32),
        pltpu.VMEM((CHUNK, HIDDEN), jnp.float32),
        pltpu.VMEM((HIDDEN * CHUNK,), jnp.float32),
        pltpu.VMEM((N_FIELD, HIDDEN), jnp.float32),
        pltpu.SemaphoreType.DMA,
        pltpu.SemaphoreType.DMA,
    ],
    compiler_params=pltpu.CompilerParams(use_tc_tiling_on_sc=False,
                                         needs_layout_passes=False),
)
def _sc_lookup(x_hbm, cb_hbm, t_hbm, out_hbm, idx_v, g_v, res_v, cb_v,
               sem_g, sem_o):
    _sc_body(x_hbm, cb_hbm, t_hbm, out_hbm, idx_v, g_v, res_v, cb_v,
             sem_g, sem_o)


PK = 2048
_PACK_GRID = -(-NUM_FEAT // PK)


def _pack_body(m_ref, w_ref, out_ref):
    eye = (lax.broadcasted_iota(jnp.int32, (HIDDEN, HIDDEN), 0)
           == lax.broadcasted_iota(jnp.int32, (HIDDEN, HIDDEN), 1)
           ).astype(jnp.float32)
    dims = (((0,), (0,)), ((), ()))
    wt = lax.dot_general(w_ref[...], eye, dims,
                         precision=lax.Precision.HIGHEST)
    mt = lax.dot_general(m_ref[...].astype(jnp.float32), eye, dims,
                         precision=lax.Precision.HIGHEST)
    ct = jnp.where(mt != 0.0, wt, jnp.float32(jnp.nan))
    c3 = ct.reshape(PK // 8, 8, HIDDEN)
    for r8 in range(8):
        out_ref[:, r8 * HIDDEN:(r8 + 1) * HIDDEN] = c3[:, r8, :]


_pack = pl.pallas_call(
    _pack_body,
    grid=(_PACK_GRID,),
    in_specs=[
        pl.BlockSpec((HIDDEN, PK), lambda i: (0, i)),
        pl.BlockSpec((HIDDEN, PK), lambda i: (0, i)),
    ],
    out_specs=pl.BlockSpec((PK * HIDDEN // 128, 128), lambda i: (i, 0)),
    out_shape=jax.ShapeDtypeStruct((NUM_FEAT * HIDDEN // 128, 128),
                                   jnp.float32),
)


def kernel(x, codebook, weight_sparse, keep_mask):
    x4 = x.T.reshape(N_FIELD, BCHUNKS, IDX_G, 128)
    mT8 = keep_mask.T.astype(jnp.int8)
    comb = _pack(mT8, weight_sparse.T).reshape(NUM_FEAT, HIDDEN)
    out_cm = _sc_lookup(x4, codebook, comb)
    return jnp.transpose(out_cm, (2, 0, 1))

# --- scband reference (transcript-rebuilt; emitter-appended) ---
"""Pipeline reference for scband-sparse-codebook-emb-33105607918086 (READ-ONLY COPY).

The authoritative reference and input builder live on the scoring server;
editing this copy changes nothing except your own understanding.
"""

import jax, jax.numpy as jnp
import numpy as np

NUM_FEAT = 1000000   # rows of the original (pruned) embedding weight
N_FIELD = 26         # codebook rows (NumField)
HIDDEN = 16          # embedding dim
BATCH = 16384
KEEP = 0.1           # fraction of weight entries NOT pruned (stored in CSR)


def setup_inputs(seed: int = 0) -> dict:
    key = jax.random.key(seed)
    k1, k2, k3, k4 = jax.random.split(key, 4)
    x = jax.random.randint(k1, (BATCH, N_FIELD), 0, NUM_FEAT, dtype=jnp.int32)
    codebook = jax.random.normal(k2, (N_FIELD, HIDDEN), dtype=jnp.float32) * 0.02
    weight = jax.random.normal(k3, (NUM_FEAT, HIDDEN), dtype=jnp.float32) * 0.02
    # codebook_mask: 1 for pruned. keep_mask = logical_not(codebook_mask)
    keep_mask = jax.random.uniform(k4, (NUM_FEAT, HIDDEN)) < KEEP
    # weight * logical_not(codebook_mask): this dense-but-mostly-zero tensor is
    # exactly what the torch module stores in CSR (values/crow/col).
    weight_sparse = weight * keep_mask.astype(jnp.float32)
    return {"x": x, "codebook": codebook, "weight_sparse": weight_sparse, "keep_mask": keep_mask}


def reference(x, codebook, weight_sparse, keep_mask):
    # Faithful to SparseCodebookEmb.forward (CPU path):
    #   results = np.repeat(codebook, batch_size, 0)        # base values
    #   csr_embedding_lookup_cpu overwrites results[index][col] = values[i]
    #   for each stored (non-pruned) CSR entry of row ids[index]
    #   results.reshape(*original_shape, hidden_size)
    B = x.shape[0]
    flat = x.reshape(-1)                      # flatten order: batch-major
    base = jnp.repeat(codebook, B, axis=0)    # [N_FIELD*B, H], exactly np.repeat(codebook, batch_size, 0)
    w = jnp.take(weight_sparse, flat, axis=0) # gather CSR rows (dense-equivalent)
    m = jnp.take(keep_mask, flat, axis=0)     # which columns the CSR scatter writes
    out_flat = jnp.where(m, w, base)          # scatter-overwrite of stored entries onto base
    return out_flat.reshape(x.shape[0], x.shape[1], codebook.shape[1])

if __name__ == "__main__":
    import jax
    _d = setup_inputs()
    print(jax.jit(kernel)(*tuple(_d.values())))

</pallas_src>

<mosaic_0001>
#map = affine_map<(d0, d1) -> (0, 0, 0, 0)>
#map1 = affine_map<(d0, d1) -> (0, 0)>
#map2 = affine_map<(d0, d1) -> (0, 0, 0)>
module attributes {stable_mosaic.version = 14 : i64} {
  func.func @_sc_lookup(%arg0: i32, %arg1: i32, %arg2: memref<26x16x8x128xi32, #tpu.memory_space<hbm>>, %arg3: memref<26x16xf32, #tpu.memory_space<hbm>>, %arg4: memref<1000000x16xf32, #tpu.memory_space<hbm>>, %arg5: memref<26x16x16384xf32, #tpu.memory_space<hbm>>, %arg6: memref<8x128xi32, #tpu.memory_space<vmem>>, %arg7: memref<1024x16xf32, #tpu.memory_space<vmem>>, %arg8: memref<16384xf32, #tpu.memory_space<vmem>>, %arg9: memref<26x16xf32, #tpu.memory_space<vmem>>, %arg10: memref<!tpu.dma_semaphore, #tpu.memory_space<semaphore_mem>>, %arg11: memref<!tpu.dma_semaphore, #tpu.memory_space<semaphore_mem>>) attributes {dimension_semantics = [#tpu.dimension_semantics<core_parallel>, #tpu.dimension_semantics<subcore_parallel>], iteration_bounds = array<i64: 2, 16>, scalar_prefetch = 0 : i64, scratch_operands = 6 : i64, tpu.core_type = #tpu.core_type<sc_vector_subcore>, window_params = [{transform_indices = #map}, {transform_indices = #map1}, {transform_indices = #map1}, {transform_indices = #map2}]} {
    %mul3A = arith.constant 2 : i32
    %mul3A_0 = arith.muli %arg1, %mul3A : i32
    %add3A = arith.addi %mul3A_0, %arg0 : i32
    "tpu.region"() ({
      %run_scoped3A = tpu.sem_alloc : memref<!tpu.dma_semaphore, #tpu.memory_space<semaphore_mem>>
      tpu.enqueue_dma source(%arg3 : memref<26x16xf32, #tpu.memory_space<hbm>>) target(%arg9 : memref<26x16xf32, #tpu.memory_space<vmem>>) target_semaphore(%run_scoped3A : memref<!tpu.dma_semaphore, #tpu.memory_space<semaphore_mem>>)
      tpu.wait_dma2 semaphore(%run_scoped3A : memref<!tpu.dma_semaphore, #tpu.memory_space<semaphore_mem>>) src(%arg3 : memref<26x16xf32, #tpu.memory_space<hbm>>) dst(%arg9 : memref<26x16xf32, #tpu.memory_space<vmem>>)
      tpu.yield
    }) : () -> ()
    %iota3A = tpu.iota {dimensions = array<i32: 0>} : vector<16xi32>
    %mul3A_1 = arith.constant 1024 : i32
    %mul3A_2 = vector.broadcast %mul3A_1 : i32 to vector<16xi32>
    %mul3A_3 = arith.muli %iota3A, %mul3A_2 : vector<16xi32>
    %scan3A = arith.constant 0 : i32
    %scan3A_4 = arith.constant 0 : i32
    %scan3A_5 = arith.constant 13 : i32
    %scan3A_6 = arith.addi %scan3A_4, %scan3A_5 : i32
    %scan3A_7 = arith.constant 1 : i32
    scf.for %scan3A_9 = %scan3A_4 to %scan3A_6 step %scan3A_7  : i32 {
      %mul3A_10 = arith.constant 13 : i32
      %mul3A_11 = arith.muli %add3A, %mul3A_10 : i32
      %add3A_12 = arith.addi %mul3A_11, %scan3A_9 : i32
      %jit3A = arith.constant 16 : i32
      %div3A = arith.divsi %add3A_12, %jit3A : i32
      %sign3A = arith.constant 0 : i32
      %sign3A_13 = arith.cmpi sgt, %add3A_12, %sign3A : i32
      %sign3A_14 = arith.extui %sign3A_13 : i1 to i32
      %sign3A_15 = arith.constant 0 : i32
      %sign3A_16 = arith.cmpi slt, %add3A_12, %sign3A_15 : i32
      %sign3A_17 = arith.extui %sign3A_16 : i1 to i32
      %sign3A_18 = arith.subi %sign3A_14, %sign3A_17 : i32
      %sign3A_19 = arith.constant 0 : i32
      %sign3A_20 = arith.cmpi sgt, %jit3A, %sign3A_19 : i32
      %sign3A_21 = arith.extui %sign3A_20 : i1 to i32
      %sign3A_22 = arith.constant 0 : i32
      %sign3A_23 = arith.cmpi slt, %jit3A, %sign3A_22 : i32
      %sign3A_24 = arith.extui %sign3A_23 : i1 to i32
      %sign3A_25 = arith.subi %sign3A_21, %sign3A_24 : i32
      %ne3A = arith.cmpi ne, %sign3A_18, %sign3A_25 : i32
      %rem3A = arith.remsi %add3A_12, %jit3A : i32
      %ne3A_26 = arith.constant 0 : i32
      %ne3A_27 = arith.cmpi ne, %rem3A, %ne3A_26 : i32
      %and3A = arith.andi %ne3A, %ne3A_27 : i1
      %sub3A = arith.constant 1 : i32
      %sub3A_28 = arith.subi %div3A, %sub3A : i32
      %select_n3A = arith.select %and3A, %sub3A_28, %div3A : i32
      %jit3A_29 = arith.constant 16 : i32
      %eq3A = arith.constant 0 : i32
      %eq3A_30 = arith.cmpi eq, %jit3A_29, %eq3A : i32
      %jit3A_31 = arith.constant 1 : i32
      %select_n3A_32 = arith.select %eq3A_30, %jit3A_31, %jit3A_29 : i32
      %rem3A_33 = arith.remsi %add3A_12, %select_n3A_32 : i32
      %ne3A_34 = arith.constant 0 : i32
      %ne3A_35 = arith.cmpi ne, %rem3A_33, %ne3A_34 : i32
      %lt3A = arith.constant 0 : i32
      %lt3A_36 = arith.cmpi slt, %rem3A_33, %lt3A : i32
      %lt3A_37 = arith.constant 0 : i32
      %lt3A_38 = arith.cmpi slt, %select_n3A_32, %lt3A_37 : i32
      %ne3A_39 = arith.xori %lt3A_36, %lt3A_38 : i1
      %and3A_40 = arith.andi %ne3A_39, %ne3A_35 : i1
      %add3A_41 = arith.addi %rem3A_33, %select_n3A_32 : i32
      %select_n3A_42 = arith.select %and3A_40, %add3A_41, %rem3A_33 : i32
      %mul3A_43 = arith.constant 1024 : i32
      %mul3A_44 = arith.muli %select_n3A_42, %mul3A_43 : i32
      "tpu.region"() ({
        %run_scoped3A = tpu.sem_alloc : memref<!tpu.dma_semaphore, #tpu.memory_space<semaphore_mem>>
        %dma_start3A_497 = arith.constant 0 : i32
        %dma_start3A_498 = arith.constant 0 : i32
        %dma_start3A_499 = tpu.memref_slice %arg2[%select_n3A, %select_n3A_42, %dma_start3A_497, %dma_start3A_498] : memref<26x16x8x128xi32, #tpu.memory_space<hbm>> -> memref<1x1x8x128xi32, #tpu.memory_space<hbm>>
        %dma_start3A_500 = tpu.memref_squeeze %dma_start3A_499 : memref<1x1x8x128xi32, #tpu.memory_space<hbm>> -> memref<8x128xi32, #tpu.memory_space<hbm>>
        %dma_start3A_501 = arith.constant 0 : i32
        %dma_start3A_502 = arith.constant 0 : i32
        %dma_start3A_503 = tpu.memref_slice %arg2[%select_n3A, %select_n3A_42, %dma_start3A_501, %dma_start3A_502] : memref<26x16x8x128xi32, #tpu.memory_space<hbm>> -> memref<1x1x8x128xi32, #tpu.memory_space<hbm>>
        %dma_start3A_504 = tpu.memref_squeeze %dma_start3A_503 : memref<1x1x8x128xi32, #tpu.memory_space<hbm>> -> memref<8x128xi32, #tpu.memory_space<hbm>>
        tpu.enqueue_dma source(%dma_start3A_504 : memref<8x128xi32, #tpu.memory_space<hbm>>) target(%arg6 : memref<8x128xi32, #tpu.memory_space<vmem>>) target_semaphore(%run_scoped3A : memref<!tpu.dma_semaphore, #tpu.memory_space<semaphore_mem>>)
        %dma_wait3A_505 = arith.constant 0 : i32
        %dma_wait3A_506 = arith.constant 0 : i32
        %dma_wait3A_507 = tpu.memref_slice %arg2[%select_n3A, %select_n3A_42, %dma_wait3A_505, %dma_wait3A_506] : memref<26x16x8x128xi32, #tpu.memory_space<hbm>> -> memref<1x1x8x128xi32, #tpu.memory_space<hbm>>
        %dma_wait3A_508 = tpu.memref_squeeze %dma_wait3A_507 : memref<1x1x8x128xi32, #tpu.memory_space<hbm>> -> memref<8x128xi32, #tpu.memory_space<hbm>>
        %dma_wait3A_509 = arith.constant 0 : i32
        %dma_wait3A_510 = arith.constant 0 : i32
        %dma_wait3A_511 = tpu.memref_slice %arg2[%select_n3A, %select_n3A_42, %dma_wait3A_509, %dma_wait3A_510] : memref<26x16x8x128xi32, #tpu.memory_space<hbm>> -> memref<1x1x8x128xi32, #tpu.memory_space<hbm>>
        %dma_wait3A_512 = tpu.memref_squeeze %dma_wait3A_511 : memref<1x1x8x128xi32, #tpu.memory_space<hbm>> -> memref<8x128xi32, #tpu.memory_space<hbm>>
        tpu.wait_dma2 semaphore(%run_scoped3A : memref<!tpu.dma_semaphore, #tpu.memory_space<semaphore_mem>>) src(%dma_wait3A_512 : memref<8x128xi32, #tpu.memory_space<hbm>>) dst(%arg6 : memref<8x128xi32, #tpu.memory_space<vmem>>)
        tpu.yield
      }) : () -> ()
      %dma_start3A = arith.constant 0 : i32
      %dma_start3A_45 = arith.constant 0 : i32
      %dma_start3A_46 = arith.constant 0 : i32
      %dma_start3A_47 = tpu.memref_slice %arg7[%dma_start3A_45, %dma_start3A_46] : memref<1024x16xf32, #tpu.memory_space<vmem>> -> memref<128x16xf32, #tpu.memory_space<vmem>>
      %dma_start3A_48 = arith.constant 0 : i32
      %dma_start3A_49 = tpu.memref_slice %arg6[%dma_start3A, %dma_start3A_48] : memref<8x128xi32, #tpu.memory_space<vmem>> -> memref<1x128xi32, #tpu.memory_space<vmem>>
      %dma_start3A_50 = tpu.memref_squeeze %dma_start3A_49 : memref<1x128xi32, #tpu.memory_space<vmem>> -> memref<128xi32, #tpu.memory_space<vmem>>
      %dma_start3A_51 = arith.constant 0 : i32
      %dma_start3A_52 = arith.constant 0 : i32
      %dma_start3A_53 = tpu.memref_slice %arg4[%dma_start3A_51, %dma_start3A_52] : memref<1000000x16xf32, #tpu.memory_space<hbm>> -> memref<1000000x16xf32, #tpu.memory_space<hbm>>
      tpu.enqueue_indirect_dma source(%dma_start3A_53 : memref<1000000x16xf32, #tpu.memory_space<hbm>>) target(%dma_start3A_47 : memref<128x16xf32, #tpu.memory_space<vmem>>) offsets(%dma_start3A_50 : memref<128xi32, #tpu.memory_space<vmem>>) semaphore(%arg10 : memref<!tpu.dma_semaphore, #tpu.memory_space<semaphore_mem>>)
      %dma_start3A_54 = arith.constant 1 : i32
      %dma_start3A_55 = arith.constant 128 : i32
      %dma_start3A_56 = arith.constant 0 : i32
      %dma_start3A_57 = tpu.memref_slice %arg7[%dma_start3A_55, %dma_start3A_56] : memref<1024x16xf32, #tpu.memory_space<vmem>> -> memref<128x16xf32, #tpu.memory_space<vmem>>
      %dma_start3A_58 = arith.constant 0 : i32
      %dma_start3A_59 = tpu.memref_slice %arg6[%dma_start3A_54, %dma_start3A_58] : memref<8x128xi32, #tpu.memory_space<vmem>> -> memref<1x128xi32, #tpu.memory_space<vmem>>
      %dma_start3A_60 = tpu.memref_squeeze %dma_start3A_59 : memref<1x128xi32, #tpu.memory_space<vmem>> -> memref<128xi32, #tpu.memory_space<vmem>>
      %dma_start3A_61 = arith.constant 0 : i32
      %dma_start3A_62 = arith.constant 0 : i32
      %dma_start3A_63 = tpu.memref_slice %arg4[%dma_start3A_61, %dma_start3A_62] : memref<1000000x16xf32, #tpu.memory_space<hbm>> -> memref<1000000x16xf32, #tpu.memory_space<hbm>>
      tpu.enqueue_indirect_dma source(%dma_start3A_63 : memref<1000000x16xf32, #tpu.memory_space<hbm>>) target(%dma_start3A_57 : memref<128x16xf32, #tpu.memory_space<vmem>>) offsets(%dma_start3A_60 : memref<128xi32, #tpu.memory_space<vmem>>) semaphore(%arg10 : memref<!tpu.dma_semaphore, #tpu.memory_space<semaphore_mem>>)
      %dma_start3A_64 = arith.constant 2 : i32
      %dma_start3A_65 = arith.constant 256 : i32
      %dma_start3A_66 = arith.constant 0 : i32
      %dma_start3A_67 = tpu.memref_slice %arg7[%dma_start3A_65, %dma_start3A_66] : memref<1024x16xf32, #tpu.memory_space<vmem>> -> memref<128x16xf32, #tpu.memory_space<vmem>>
      %dma_start3A_68 = arith.constant 0 : i32
      %dma_start3A_69 = tpu.memref_slice %arg6[%dma_start3A_64, %dma_start3A_68] : memref<8x128xi32, #tpu.memory_space<vmem>> -> memref<1x128xi32, #tpu.memory_space<vmem>>
      %dma_start3A_70 = tpu.memref_squeeze %dma_start3A_69 : memref<1x128xi32, #tpu.memory_space<vmem>> -> memref<128xi32, #tpu.memory_space<vmem>>
      %dma_start3A_71 = arith.constant 0 : i32
      %dma_start3A_72 = arith.constant 0 : i32
      %dma_start3A_73 = tpu.memref_slice %arg4[%dma_start3A_71, %dma_start3A_72] : memref<1000000x16xf32, #tpu.memory_space<hbm>> -> memref<1000000x16xf32, #tpu.memory_space<hbm>>
      tpu.enqueue_indirect_dma source(%dma_start3A_73 : memref<1000000x16xf32, #tpu.memory_space<hbm>>) target(%dma_start3A_67 : memref<128x16xf32, #tpu.memory_space<vmem>>) offsets(%dma_start3A_70 : memref<128xi32, #tpu.memory_space<vmem>>) semaphore(%arg10 : memref<!tpu.dma_semaphore, #tpu.memory_space<semaphore_mem>>)
      %dma_start3A_74 = arith.constant 3 : i32
      %dma_start3A_75 = arith.constant 384 : i32
      %dma_start3A_76 = arith.constant 0 : i32
      %dma_start3A_77 = tpu.memref_slice %arg7[%dma_start3A_75, %dma_start3A_76] : memref<1024x16xf32, #tpu.memory_space<vmem>> -> memref<128x16xf32, #tpu.memory_space<vmem>>
      %dma_start3A_78 = arith.constant 0 : i32
      %dma_start3A_79 = tpu.memref_slice %arg6[%dma_start3A_74, %dma_start3A_78] : memref<8x128xi32, #tpu.memory_space<vmem>> -> memref<1x128xi32, #tpu.memory_space<vmem>>
      %dma_start3A_80 = tpu.memref_squeeze %dma_start3A_79 : memref<1x128xi32, #tpu.memory_space<vmem>> -> memref<128xi32, #tpu.memory_space<vmem>>
      %dma_start3A_81 = arith.constant 0 : i32
      %dma_start3A_82 = arith.constant 0 : i32
      %dma_start3A_83 = tpu.memref_slice %arg4[%dma_start3A_81, %dma_start3A_82] : memref<1000000x16xf32, #tpu.memory_space<hbm>> -> memref<1000000x16xf32, #tpu.memory_space<hbm>>
      tpu.enqueue_indirect_dma source(%dma_start3A_83 : memref<1000000x16xf32, #tpu.memory_space<hbm>>) target(%dma_start3A_77 : memref<128x16xf32, #tpu.memory_space<vmem>>) offsets(%dma_start3A_80 : memref<128xi32, #tpu.memory_space<vmem>>) semaphore(%arg10 : memref<!tpu.dma_semaphore, #tpu.memory_space<semaphore_mem>>)
      %dma_start3A_84 = arith.constant 4 : i32
      %dma_start3A_85 = arith.constant 512 : i32
      %dma_start3A_86 = arith.constant 0 : i32
      %dma_start3A_87 = tpu.memref_slice %arg7[%dma_start3A_85, %dma_start3A_86] : memref<1024x16xf32, #tpu.memory_space<vmem>> -> memref<128x16xf32, #tpu.memory_space<vmem>>
      %dma_start3A_88 = arith.constant 0 : i32
      %dma_start3A_89 = tpu.memref_slice %arg6[%dma_start3A_84, %dma_start3A_88] : memref<8x128xi32, #tpu.memory_space<vmem>> -> memref<1x128xi32, #tpu.memory_space<vmem>>
      %dma_start3A_90 = tpu.memref_squeeze %dma_start3A_89 : memref<1x128xi32, #tpu.memory_space<vmem>> -> memref<128xi32, #tpu.memory_space<vmem>>
      %dma_start3A_91 = arith.constant 0 : i32
      %dma_start3A_92 = arith.constant 0 : i32
      %dma_start3A_93 = tpu.memref_slice %arg4[%dma_start3A_91, %dma_start3A_92] : memref<1000000x16xf32, #tpu.memory_space<hbm>> -> memref<1000000x16xf32, #tpu.memory_space<hbm>>
      tpu.enqueue_indirect_dma source(%dma_start3A_93 : memref<1000000x16xf32, #tpu.memory_space<hbm>>) target(%dma_start3A_87 : memref<128x16xf32, #tpu.memory_space<vmem>>) offsets(%dma_start3A_90 : memref<128xi32, #tpu.memory_space<vmem>>) semaphore(%arg10 : memref<!tpu.dma_semaphore, #tpu.memory_space<semaphore_mem>>)
      %dma_start3A_94 = arith.constant 5 : i32
      %dma_start3A_95 = arith.constant 640 : i32
      %dma_start3A_96 = arith.constant 0 : i32
      %dma_start3A_97 = tpu.memref_slice %arg7[%dma_start3A_95, %dma_start3A_96] : memref<1024x16xf32, #tpu.memory_space<vmem>> -> memref<128x16xf32, #tpu.memory_space<vmem>>
      %dma_start3A_98 = arith.constant 0 : i32
      %dma_start3A_99 = tpu.memref_slice %arg6[%dma_start3A_94, %dma_start3A_98] : memref<8x128xi32, #tpu.memory_space<vmem>> -> memref<1x128xi32, #tpu.memory_space<vmem>>
      %dma_start3A_100 = tpu.memref_squeeze %dma_start3A_99 : memref<1x128xi32, #tpu.memory_space<vmem>> -> memref<128xi32, #tpu.memory_space<vmem>>
      %dma_start3A_101 = arith.constant 0 : i32
      %dma_start3A_102 = arith.constant 0 : i32
      %dma_start3A_103 = tpu.memref_slice %arg4[%dma_start3A_101, %dma_start3A_102] : memref<1000000x16xf32, #tpu.memory_space<hbm>> -> memref<1000000x16xf32, #tpu.memory_space<hbm>>
      tpu.enqueue_indirect_dma source(%dma_start3A_103 : memref<1000000x16xf32, #tpu.memory_space<hbm>>) target(%dma_start3A_97 : memref<128x16xf32, #tpu.memory_space<vmem>>) offsets(%dma_start3A_100 : memref<128xi32, #tpu.memory_space<vmem>>) semaphore(%arg10 : memref<!tpu.dma_semaphore, #tpu.memory_space<semaphore_mem>>)
      %dma_start3A_104 = arith.constant 6 : i32
      %dma_start3A_105 = arith.constant 768 : i32
      %dma_start3A_106 = arith.constant 0 : i32
      %dma_start3A_107 = tpu.memref_slice %arg7[%dma_start3A_105, %dma_start3A_106] : memref<1024x16xf32, #tpu.memory_space<vmem>> -> memref<128x16xf32, #tpu.memory_space<vmem>>
      %dma_start3A_108 = arith.constant 0 : i32
      %dma_start3A_109 = tpu.memref_slice %arg6[%dma_start3A_104, %dma_start3A_108] : memref<8x128xi32, #tpu.memory_space<vmem>> -> memref<1x128xi32, #tpu.memory_space<vmem>>
      %dma_start3A_110 = tpu.memref_squeeze %dma_start3A_109 : memref<1x128xi32, #tpu.memory_space<vmem>> -> memref<128xi32, #tpu.memory_space<vmem>>
      %dma_start3A_111 = arith.constant 0 : i32
      %dma_start3A_112 = arith.constant 0 : i32
      %dma_start3A_113 = tpu.memref_slice %arg4[%dma_start3A_111, %dma_start3A_112] : memref<1000000x16xf32, #tpu.memory_space<hbm>> -> memref<1000000x16xf32, #tpu.memory_space<hbm>>
      tpu.enqueue_indirect_dma source(%dma_start3A_113 : memref<1000000x16xf32, #tpu.memory_space<hbm>>) target(%dma_start3A_107 : memref<128x16xf32, #tpu.memory_space<vmem>>) offsets(%dma_start3A_110 : memref<128xi32, #tpu.memory_space<vmem>>) semaphore(%arg10 : memref<!tpu.dma_semaphore, #tpu.memory_space<semaphore_mem>>)
      %dma_start3A_114 = arith.constant 7 : i32
      %dma_start3A_115 = arith.constant 896 : i32
      %dma_start3A_116 = arith.constant 0 : i32
      %dma_start3A_117 = tpu.memref_slice %arg7[%dma_start3A_115, %dma_start3A_116] : memref<1024x16xf32, #tpu.memory_space<vmem>> -> memref<128x16xf32, #tpu.memory_space<vmem>>
      %dma_start3A_118 = arith.constant 0 : i32
      %dma_start3A_119 = tpu.memref_slice %arg6[%dma_start3A_114, %dma_start3A_118] : memref<8x128xi32, #tpu.memory_space<vmem>> -> memref<1x128xi32, #tpu.memory_space<vmem>>
      %dma_start3A_120 = tpu.memref_squeeze %dma_start3A_119 : memref<1x128xi32, #tpu.memory_space<vmem>> -> memref<128xi32, #tpu.memory_space<vmem>>
      %dma_start3A_121 = arith.constant 0 : i32
      %dma_start3A_122 = arith.constant 0 : i32
      %dma_start3A_123 = tpu.memref_slice %arg4[%dma_start3A_121, %dma_start3A_122] : memref<1000000x16xf32, #tpu.memory_space<hbm>> -> memref<1000000x16xf32, #tpu.memory_space<hbm>>
      tpu.enqueue_indirect_dma source(%dma_start3A_123 : memref<1000000x16xf32, #tpu.memory_space<hbm>>) target(%dma_start3A_117 : memref<128x16xf32, #tpu.memory_space<vmem>>) offsets(%dma_start3A_120 : memref<128xi32, #tpu.memory_space<vmem>>) semaphore(%arg10 : memref<!tpu.dma_semaphore, #tpu.memory_space<semaphore_mem>>)
      %dma_wait3A = arith.constant 0 : i32
      %dma_wait3A_124 = arith.constant 0 : i32
      %dma_wait3A_125 = arith.constant 0 : i32
      %dma_wait3A_126 = tpu.memref_slice %arg7[%dma_wait3A_124, %dma_wait3A_125] : memref<1024x16xf32, #tpu.memory_space<vmem>> -> memref<128x16xf32, #tpu.memory_space<vmem>>
      %dma_wait3A_127 = arith.constant 0 : i32
      %dma_wait3A_128 = tpu.memref_slice %arg6[%dma_wait3A, %dma_wait3A_127] : memref<8x128xi32, #tpu.memory_space<vmem>> -> memref<1x128xi32, #tpu.memory_space<vmem>>
      %dma_wait3A_129 = tpu.memref_squeeze %dma_wait3A_128 : memref<1x128xi32, #tpu.memory_space<vmem>> -> memref<128xi32, #tpu.memory_space<vmem>>
      %dma_wait3A_130 = arith.constant 0 : i32
      %dma_wait3A_131 = arith.constant 0 : i32
      %dma_wait3A_132 = tpu.memref_slice %arg4[%dma_wait3A_130, %dma_wait3A_131] : memref<1000000x16xf32, #tpu.memory_space<hbm>> -> memref<1000000x16xf32, #tpu.memory_space<hbm>>
      tpu.wait_indirect_dma semaphore(%arg10 : memref<!tpu.dma_semaphore, #tpu.memory_space<semaphore_mem>>) src(%dma_wait3A_132 : memref<1000000x16xf32, #tpu.memory_space<hbm>>) dst(%dma_wait3A_126 : memref<128x16xf32, #tpu.memory_space<vmem>>)
      %dma_wait3A_133 = arith.constant 1 : i32
      %dma_wait3A_134 = arith.constant 128 : i32
      %dma_wait3A_135 = arith.constant 0 : i32
      %dma_wait3A_136 = tpu.memref_slice %arg7[%dma_wait3A_134, %dma_wait3A_135] : memref<1024x16xf32, #tpu.memory_space<vmem>> -> memref<128x16xf32, #tpu.memory_space<vmem>>
      %dma_wait3A_137 = arith.constant 0 : i32
      %dma_wait3A_138 = tpu.memref_slice %arg6[%dma_wait3A_133, %dma_wait3A_137] : memref<8x128xi32, #tpu.memory_space<vmem>> -> memref<1x128xi32, #tpu.memory_space<vmem>>
      %dma_wait3A_139 = tpu.memref_squeeze %dma_wait3A_138 : memref<1x128xi32, #tpu.memory_space<vmem>> -> memref<128xi32, #tpu.memory_space<vmem>>
      %dma_wait3A_140 = arith.constant 0 : i32
      %dma_wait3A_141 = arith.constant 0 : i32
      %dma_wait3A_142 = tpu.memref_slice %arg4[%dma_wait3A_140, %dma_wait3A_141] : memref<1000000x16xf32, #tpu.memory_space<hbm>> -> memref<1000000x16xf32, #tpu.memory_space<hbm>>
      tpu.wait_indirect_dma semaphore(%arg10 : memref<!tpu.dma_semaphore, #tpu.memory_space<semaphore_mem>>) src(%dma_wait3A_142 : memref<1000000x16xf32, #tpu.memory_space<hbm>>) dst(%dma_wait3A_136 : memref<128x16xf32, #tpu.memory_space<vmem>>)
      %dma_wait3A_143 = arith.constant 2 : i32
      %dma_wait3A_144 = arith.constant 256 : i32
      %dma_wait3A_145 = arith.constant 0 : i32
      %dma_wait3A_146 = tpu.memref_slice %arg7[%dma_wait3A_144, %dma_wait3A_145] : memref<1024x16xf32, #tpu.memory_space<vmem>> -> memref<128x16xf32, #tpu.memory_space<vmem>>
      %dma_wait3A_147 = arith.constant 0 : i32
      %dma_wait3A_148 = tpu.memref_slice %arg6[%dma_wait3A_143, %dma_wait3A_147] : memref<8x128xi32, #tpu.memory_space<vmem>> -> memref<1x128xi32, #tpu.memory_space<vmem>>
      %dma_wait3A_149 = tpu.memref_squeeze %dma_wait3A_148 : memref<1x128xi32, #tpu.memory_space<vmem>> -> memref<128xi32, #tpu.memory_space<vmem>>
      %dma_wait3A_150 = arith.constant 0 : i32
      %dma_wait3A_151 = arith.constant 0 : i32
      %dma_wait3A_152 = tpu.memref_slice %arg4[%dma_wait3A_150, %dma_wait3A_151] : memref<1000000x16xf32, #tpu.memory_space<hbm>> -> memref<1000000x16xf32, #tpu.memory_space<hbm>>
      tpu.wait_indirect_dma semaphore(%arg10 : memref<!tpu.dma_semaphore, #tpu.memory_space<semaphore_mem>>) src(%dma_wait3A_152 : memref<1000000x16xf32, #tpu.memory_space<hbm>>) dst(%dma_wait3A_146 : memref<128x16xf32, #tpu.memory_space<vmem>>)
      %dma_wait3A_153 = arith.constant 3 : i32
      %dma_wait3A_154 = arith.constant 384 : i32
      %dma_wait3A_155 = arith.constant 0 : i32
      %dma_wait3A_156 = tpu.memref_slice %arg7[%dma_wait3A_154, %dma_wait3A_155] : memref<1024x16xf32, #tpu.memory_space<vmem>> -> memref<128x16xf32, #tpu.memory_space<vmem>>
      %dma_wait3A_157 = arith.constant 0 : i32
      %dma_wait3A_158 = tpu.memref_slice %arg6[%dma_wait3A_153, %dma_wait3A_157] : memref<8x128xi32, #tpu.memory_space<vmem>> -> memref<1x128xi32, #tpu.memory_space<vmem>>
      %dma_wait3A_159 = tpu.memref_squeeze %dma_wait3A_158 : memref<1x128xi32, #tpu.memory_space<vmem>> -> memref<128xi32, #tpu.memory_space<vmem>>
      %dma_wait3A_160 = arith.constant 0 : i32
      %dma_wait3A_161 = arith.constant 0 : i32
      %dma_wait3A_162 = tpu.memref_slice %arg4[%dma_wait3A_160, %dma_wait3A_161] : memref<1000000x16xf32, #tpu.memory_space<hbm>> -> memref<1000000x16xf32, #tpu.memory_space<hbm>>
      tpu.wait_indirect_dma semaphore(%arg10 : memref<!tpu.dma_semaphore, #tpu.memory_space<semaphore_mem>>) src(%dma_wait3A_162 : memref<1000000x16xf32, #tpu.memory_space<hbm>>) dst(%dma_wait3A_156 : memref<128x16xf32, #tpu.memory_space<vmem>>)
      %dma_wait3A_163 = arith.constant 4 : i32
      %dma_wait3A_164 = arith.constant 512 : i32
      %dma_wait3A_165 = arith.constant 0 : i32
      %dma_wait3A_166 = tpu.memref_slice %arg7[%dma_wait3A_164, %dma_wait3A_165] : memref<1024x16xf32, #tpu.memory_space<vmem>> -> memref<128x16xf32, #tpu.memory_space<vmem>>
      %dma_wait3A_167 = arith.constant 0 : i32
      %dma_wait3A_168 = tpu.memref_slice %arg6[%dma_wait3A_163, %dma_wait3A_167] : memref<8x128xi32, #tpu.memory_space<vmem>> -> memref<1x128xi32, #tpu.memory_space<vmem>>
      %dma_wait3A_169 = tpu.memref_squeeze %dma_wait3A_168 : memref<1x128xi32, #tpu.memory_space<vmem>> -> memref<128xi32, #tpu.memory_space<vmem>>
      %dma_wait3A_170 = arith.constant 0 : i32
      %dma_wait3A_171 = arith.constant 0 : i32
      %dma_wait3A_172 = tpu.memref_slice %arg4[%dma_wait3A_170, %dma_wait3A_171] : memref<1000000x16xf32, #tpu.memory_space<hbm>> -> memref<1000000x16xf32, #tpu.memory_space<hbm>>
      tpu.wait_indirect_dma semaphore(%arg10 : memref<!tpu.dma_semaphore, #tpu.memory_space<semaphore_mem>>) src(%dma_wait3A_172 : memref<1000000x16xf32, #tpu.memory_space<hbm>>) dst(%dma_wait3A_166 : memref<128x16xf32, #tpu.memory_space<vmem>>)
      %dma_wait3A_173 = arith.constant 5 : i32
      %dma_wait3A_174 = arith.constant 640 : i32
      %dma_wait3A_175 = arith.constant 0 : i32
      %dma_wait3A_176 = tpu.memref_slice %arg7[%dma_wait3A_174, %dma_wait3A_175] : memref<1024x16xf32, #tpu.memory_space<vmem>> -> memref<128x16xf32, #tpu.memory_space<vmem>>
      %dma_wait3A_177 = arith.constant 0 : i32
      %dma_wait3A_178 = tpu.memref_slice %arg6[%dma_wait3A_173, %dma_wait3A_177] : memref<8x128xi32, #tpu.memory_space<vmem>> -> memref<1x128xi32, #tpu.memory_space<vmem>>
      %dma_wait3A_179 = tpu.memref_squeeze %dma_wait3A_178 : memref<1x128xi32, #tpu.memory_space<vmem>> -> memref<128xi32, #tpu.memory_space<vmem>>
      %dma_wait3A_180 = arith.constant 0 : i32
      %dma_wait3A_181 = arith.constant 0 : i32
      %dma_wait3A_182 = tpu.memref_slice %arg4[%dma_wait3A_180, %dma_wait3A_181] : memref<1000000x16xf32, #tpu.memory_space<hbm>> -> memref<1000000x16xf32, #tpu.memory_space<hbm>>
      tpu.wait_indirect_dma semaphore(%arg10 : memref<!tpu.dma_semaphore, #tpu.memory_space<semaphore_mem>>) src(%dma_wait3A_182 : memref<1000000x16xf32, #tpu.memory_space<hbm>>) dst(%dma_wait3A_176 : memref<128x16xf32, #tpu.memory_space<vmem>>)
      %dma_wait3A_183 = arith.constant 6 : i32
      %dma_wait3A_184 = arith.constant 768 : i32
      %dma_wait3A_185 = arith.constant 0 : i32
      %dma_wait3A_186 = tpu.memref_slice %arg7[%dma_wait3A_184, %dma_wait3A_185] : memref<1024x16xf32, #tpu.memory_space<vmem>> -> memref<128x16xf32, #tpu.memory_space<vmem>>
      %dma_wait3A_187 = arith.constant 0 : i32
      %dma_wait3A_188 = tpu.memref_slice %arg6[%dma_wait3A_183, %dma_wait3A_187] : memref<8x128xi32, #tpu.memory_space<vmem>> -> memref<1x128xi32, #tpu.memory_space<vmem>>
      %dma_wait3A_189 = tpu.memref_squeeze %dma_wait3A_188 : memref<1x128xi32, #tpu.memory_space<vmem>> -> memref<128xi32, #tpu.memory_space<vmem>>
      %dma_wait3A_190 = arith.constant 0 : i32
      %dma_wait3A_191 = arith.constant 0 : i32
      %dma_wait3A_192 = tpu.memref_slice %arg4[%dma_wait3A_190, %dma_wait3A_191] : memref<1000000x16xf32, #tpu.memory_space<hbm>> -> memref<1000000x16xf32, #tpu.memory_space<hbm>>
      tpu.wait_indirect_dma semaphore(%arg10 : memref<!tpu.dma_semaphore, #tpu.memory_space<semaphore_mem>>) src(%dma_wait3A_192 : memref<1000000x16xf32, #tpu.memory_space<hbm>>) dst(%dma_wait3A_186 : memref<128x16xf32, #tpu.memory_space<vmem>>)
      %dma_wait3A_193 = arith.constant 7 : i32
      %dma_wait3A_194 = arith.constant 896 : i32
      %dma_wait3A_195 = arith.constant 0 : i32
      %dma_wait3A_196 = tpu.memref_slice %arg7[%dma_wait3A_194, %dma_wait3A_195] : memref<1024x16xf32, #tpu.memory_space<vmem>> -> memref<128x16xf32, #tpu.memory_space<vmem>>
      %dma_wait3A_197 = arith.constant 0 : i32
      %dma_wait3A_198 = tpu.memref_slice %arg6[%dma_wait3A_193, %dma_wait3A_197] : memref<8x128xi32, #tpu.memory_space<vmem>> -> memref<1x128xi32, #tpu.memory_space<vmem>>
      %dma_wait3A_199 = tpu.memref_squeeze %dma_wait3A_198 : memref<1x128xi32, #tpu.memory_space<vmem>> -> memref<128xi32, #tpu.memory_space<vmem>>
      %dma_wait3A_200 = arith.constant 0 : i32
      %dma_wait3A_201 = arith.constant 0 : i32
      %dma_wait3A_202 = tpu.memref_slice %arg4[%dma_wait3A_200, %dma_wait3A_201] : memref<1000000x16xf32, #tpu.memory_space<hbm>> -> memref<1000000x16xf32, #tpu.memory_space<hbm>>
      tpu.wait_indirect_dma semaphore(%arg10 : memref<!tpu.dma_semaphore, #tpu.memory_space<semaphore_mem>>) src(%dma_wait3A_202 : memref<1000000x16xf32, #tpu.memory_space<hbm>>) dst(%dma_wait3A_196 : memref<128x16xf32, #tpu.memory_space<vmem>>)
      %scan3A_203 = arith.constant 0 : i32
      %scan3A_204 = arith.constant 0 : i32
      %scan3A_205 = arith.constant 1024 : i32
      %scan3A_206 = arith.addi %scan3A_204, %scan3A_205 : i32
      %scan3A_207 = arith.constant 4 : i32
      scf.for %scan3A_497 = %scan3A_204 to %scan3A_206 step %scan3A_207  : i32 {
        %add3A_498 = arith.addi %mul3A_44, %scan3A_497 : i32
        %mul3A_499 = arith.constant 26 : i32
        %mul3A_500 = arith.muli %add3A_498, %mul3A_499 : i32
        %add3A_501 = arith.addi %mul3A_500, %select_n3A : i32
        %jit3A_502 = arith.constant 16384 : i32
        %div3A_503 = arith.divsi %add3A_501, %jit3A_502 : i32
        %sign3A_504 = arith.constant 0 : i32
        %sign3A_505 = arith.cmpi sgt, %add3A_501, %sign3A_504 : i32
        %sign3A_506 = arith.extui %sign3A_505 : i1 to i32
        %sign3A_507 = arith.constant 0 : i32
        %sign3A_508 = arith.cmpi slt, %add3A_501, %sign3A_507 : i32
        %sign3A_509 = arith.extui %sign3A_508 : i1 to i32
        %sign3A_510 = arith.subi %sign3A_506, %sign3A_509 : i32
        %sign3A_511 = arith.constant 0 : i32
        %sign3A_512 = arith.cmpi sgt, %jit3A_502, %sign3A_511 : i32
        %sign3A_513 = arith.extui %sign3A_512 : i1 to i32
        %sign3A_514 = arith.constant 0 : i32
        %sign3A_515 = arith.cmpi slt, %jit3A_502, %sign3A_514 : i32
        %sign3A_516 = arith.extui %sign3A_515 : i1 to i32
        %sign3A_517 = arith.subi %sign3A_513, %sign3A_516 : i32
        %ne3A_518 = arith.cmpi ne, %sign3A_510, %sign3A_517 : i32
        %rem3A_519 = arith.remsi %add3A_501, %jit3A_502 : i32
        %ne3A_520 = arith.constant 0 : i32
        %ne3A_521 = arith.cmpi ne, %rem3A_519, %ne3A_520 : i32
        %and3A_522 = arith.andi %ne3A_518, %ne3A_521 : i1
        %sub3A_523 = arith.constant 1 : i32
        %sub3A_524 = arith.subi %div3A_503, %sub3A_523 : i32
        %select_n3A_525 = arith.select %and3A_522, %sub3A_524, %div3A_503 : i32
        %get3A = arith.index_cast %select_n3A_525 : i32 to index
        %get3A_526 = arith.constant 0 : index
        %get3A_527 = tpu.vector_load %arg9[%get3A, %get3A_526] {strides = array<i32>} : memref<26x16xf32, #tpu.memory_space<vmem>>, vector<16xf32>,
        %get3A_528 = arith.index_cast %scan3A_497 : i32 to index
        %get3A_529 = arith.constant 0 : index
        %get3A_530 = tpu.vector_load %arg7[%get3A_528, %get3A_529] {strides = array<i32>} : memref<1024x16xf32, #tpu.memory_space<vmem>>, vector<16xf32>,
        %ne3A_531 = arith.cmpf one, %get3A_530, %get3A_530 : vector<16xf32>
        %select_n3A_532 = arith.select %ne3A_531, %get3A_527, %get3A_530 : vector<16xi1>, vector<16xf32>
        %add3A_533 = vector.broadcast %scan3A_497 : i32 to vector<16xi32>
        %add3A_534 = arith.addi %mul3A_3, %add3A_533 : vector<16xi32>
        tpu.vector_store_idx %arg8[%add3A_534], %select_n3A_532 : memref<16384xf32, #tpu.memory_space<vmem>>[vector<16xi32>], vector<16xf32>,
        %scan3A_535 = arith.constant 1 : i32
        %scan3A_536 = arith.addi %scan3A_497, %scan3A_535 : i32
        %add3A_537 = arith.addi %mul3A_44, %scan3A_536 : i32
        %mul3A_538 = arith.constant 26 : i32
        %mul3A_539 = arith.muli %add3A_537, %mul3A_538 : i32
        %add3A_540 = arith.addi %mul3A_539, %select_n3A : i32
        %jit3A_541 = arith.constant 16384 : i32
        %div3A_542 = arith.divsi %add3A_540, %jit3A_541 : i32
        %sign3A_543 = arith.constant 0 : i32
        %sign3A_544 = arith.cmpi sgt, %add3A_540, %sign3A_543 : i32
        %sign3A_545 = arith.extui %sign3A_544 : i1 to i32
        %sign3A_546 = arith.constant 0 : i32
        %sign3A_547 = arith.cmpi slt, %add3A_540, %sign3A_546 : i32
        %sign3A_548 = arith.extui %sign3A_547 : i1 to i32
        %sign3A_549 = arith.subi %sign3A_545, %sign3A_548 : i32
        %sign3A_550 = arith.constant 0 : i32
        %sign3A_551 = arith.cmpi sgt, %jit3A_541, %sign3A_550 : i32
        %sign3A_552 = arith.extui %sign3A_551 : i1 to i32
        %sign3A_553 = arith.constant 0 : i32
        %sign3A_554 = arith.cmpi slt, %jit3A_541, %sign3A_553 : i32
        %sign3A_555 = arith.extui %sign3A_554 : i1 to i32
        %sign3A_556 = arith.subi %sign3A_552, %sign3A_555 : i32
        %ne3A_557 = arith.cmpi ne, %sign3A_549, %sign3A_556 : i32
        %rem3A_558 = arith.remsi %add3A_540, %jit3A_541 : i32
        %ne3A_559 = arith.constant 0 : i32
        %ne3A_560 = arith.cmpi ne, %rem3A_558, %ne3A_559 : i32
        %and3A_561 = arith.andi %ne3A_557, %ne3A_560 : i1
        %sub3A_562 = arith.constant 1 : i32
        %sub3A_563 = arith.subi %div3A_542, %sub3A_562 : i32
        %select_n3A_564 = arith.select %and3A_561, %sub3A_563, %div3A_542 : i32
        %get3A_565 = arith.index_cast %select_n3A_564 : i32 to index
        %get3A_566 = arith.constant 0 : index
        %get3A_567 = tpu.vector_load %arg9[%get3A_565, %get3A_566] {strides = array<i32>} : memref<26x16xf32, #tpu.memory_space<vmem>>, vector<16xf32>,
        %get3A_568 = arith.index_cast %scan3A_536 : i32 to index
        %get3A_569 = arith.constant 0 : index
        %get3A_570 = tpu.vector_load %arg7[%get3A_568, %get3A_569] {strides = array<i32>} : memref<1024x16xf32, #tpu.memory_space<vmem>>, vector<16xf32>,
        %ne3A_571 = arith.cmpf one, %get3A_570, %get3A_570 : vector<16xf32>
        %select_n3A_572 = arith.select %ne3A_571, %get3A_567, %get3A_570 : vector<16xi1>, vector<16xf32>
        %add3A_573 = vector.broadcast %scan3A_536 : i32 to vector<16xi32>
        %add3A_574 = arith.addi %mul3A_3, %add3A_573 : vector<16xi32>
        tpu.vector_store_idx %arg8[%add3A_574], %select_n3A_572 : memref<16384xf32, #tpu.memory_space<vmem>>[vector<16xi32>], vector<16xf32>,
        %scan3A_575 = arith.constant 2 : i32
        %scan3A_576 = arith.addi %scan3A_497, %scan3A_575 : i32
        %add3A_577 = arith.addi %mul3A_44, %scan3A_576 : i32
        %mul3A_578 = arith.constant 26 : i32
        %mul3A_579 = arith.muli %add3A_577, %mul3A_578 : i32
        %add3A_580 = arith.addi %mul3A_579, %select_n3A : i32
        %jit3A_581 = arith.constant 16384 : i32
        %div3A_582 = arith.divsi %add3A_580, %jit3A_581 : i32
        %sign3A_583 = arith.constant 0 : i32
        %sign3A_584 = arith.cmpi sgt, %add3A_580, %sign3A_583 : i32
        %sign3A_585 = arith.extui %sign3A_584 : i1 to i32
        %sign3A_586 = arith.constant 0 : i32
        %sign3A_587 = arith.cmpi slt, %add3A_580, %sign3A_586 : i32
        %sign3A_588 = arith.extui %sign3A_587 : i1 to i32
        %sign3A_589 = arith.subi %sign3A_585, %sign3A_588 : i32
        %sign3A_590 = arith.constant 0 : i32
        %sign3A_591 = arith.cmpi sgt, %jit3A_581, %sign3A_590 : i32
        %sign3A_592 = arith.extui %sign3A_591 : i1 to i32
        %sign3A_593 = arith.constant 0 : i32
        %sign3A_594 = arith.cmpi slt, %jit3A_581, %sign3A_593 : i32
        %sign3A_595 = arith.extui %sign3A_594 : i1 to i32
        %sign3A_596 = arith.subi %sign3A_592, %sign3A_595 : i32
        %ne3A_597 = arith.cmpi ne, %sign3A_589, %sign3A_596 : i32
        %rem3A_598 = arith.remsi %add3A_580, %jit3A_581 : i32
        %ne3A_599 = arith.constant 0 : i32
        %ne3A_600 = arith.cmpi ne, %rem3A_598, %ne3A_599 : i32
        %and3A_601 = arith.andi %ne3A_597, %ne3A_600 : i1
        %sub3A_602 = arith.constant 1 : i32
        %sub3A_603 = arith.subi %div3A_582, %sub3A_602 : i32
        %select_n3A_604 = arith.select %and3A_601, %sub3A_603, %div3A_582 : i32
        %get3A_605 = arith.index_cast %select_n3A_604 : i32 to index
        %get3A_606 = arith.constant 0 : index
        %get3A_607 = tpu.vector_load %arg9[%get3A_605, %get3A_606] {strides = array<i32>} : memref<26x16xf32, #tpu.memory_space<vmem>>, vector<16xf32>,
        %get3A_608 = arith.index_cast %scan3A_576 : i32 to index
        %get3A_609 = arith.constant 0 : index
        %get3A_610 = tpu.vector_load %arg7[%get3A_608, %get3A_609] {strides = array<i32>} : memref<1024x16xf32, #tpu.memory_space<vmem>>, vector<16xf32>,
        %ne3A_611 = arith.cmpf one, %get3A_610, %get3A_610 : vector<16xf32>
        %select_n3A_612 = arith.select %ne3A_611, %get3A_607, %get3A_610 : vector<16xi1>, vector<16xf32>
        %add3A_613 = vector.broadcast %scan3A_576 : i32 to vector<16xi32>
        %add3A_614 = arith.addi %mul3A_3, %add3A_613 : vector<16xi32>
        tpu.vector_store_idx %arg8[%add3A_614], %select_n3A_612 : memref<16384xf32, #tpu.memory_space<vmem>>[vector<16xi32>], vector<16xf32>,
        %scan3A_615 = arith.constant 3 : i32
        %scan3A_616 = arith.addi %scan3A_497, %scan3A_615 : i32
        %add3A_617 = arith.addi %mul3A_44, %scan3A_616 : i32
        %mul3A_618 = arith.constant 26 : i32
        %mul3A_619 = arith.muli %add3A_617, %mul3A_618 : i32
        %add3A_620 = arith.addi %mul3A_619, %select_n3A : i32
        %jit3A_621 = arith.constant 16384 : i32
        %div3A_622 = arith.divsi %add3A_620, %jit3A_621 : i32
        %sign3A_623 = arith.constant 0 : i32
        %sign3A_624 = arith.cmpi sgt, %add3A_620, %sign3A_623 : i32
        %sign3A_625 = arith.extui %sign3A_624 : i1 to i32
        %sign3A_626 = arith.constant 0 : i32
        %sign3A_627 = arith.cmpi slt, %add3A_620, %sign3A_626 : i32
        %sign3A_628 = arith.extui %sign3A_627 : i1 to i32
        %sign3A_629 = arith.subi %sign3A_625, %sign3A_628 : i32
        %sign3A_630 = arith.constant 0 : i32
        %sign3A_631 = arith.cmpi sgt, %jit3A_621, %sign3A_630 : i32
        %sign3A_632 = arith.extui %sign3A_631 : i1 to i32
        %sign3A_633 = arith.constant 0 : i32
        %sign3A_634 = arith.cmpi slt, %jit3A_621, %sign3A_633 : i32
        %sign3A_635 = arith.extui %sign3A_634 : i1 to i32
        %sign3A_636 = arith.subi %sign3A_632, %sign3A_635 : i32
        %ne3A_637 = arith.cmpi ne, %sign3A_629, %sign3A_636 : i32
        %rem3A_638 = arith.remsi %add3A_620, %jit3A_621 : i32
        %ne3A_639 = arith.constant 0 : i32
        %ne3A_640 = arith.cmpi ne, %rem3A_638, %ne3A_639 : i32
        %and3A_641 = arith.andi %ne3A_637, %ne3A_640 : i1
        %sub3A_642 = arith.constant 1 : i32
        %sub3A_643 = arith.subi %div3A_622, %sub3A_642 : i32
        %select_n3A_644 = arith.select %and3A_641, %sub3A_643, %div3A_622 : i32
        %get3A_645 = arith.index_cast %select_n3A_644 : i32 to index
        %get3A_646 = arith.constant 0 : index
        %get3A_647 = tpu.vector_load %arg9[%get3A_645, %get3A_646] {strides = array<i32>} : memref<26x16xf32, #tpu.memory_space<vmem>>, vector<16xf32>,
        %get3A_648 = arith.index_cast %scan3A_616 : i32 to index
        %get3A_649 = arith.constant 0 : index
        %get3A_650 = tpu.vector_load %arg7[%get3A_648, %get3A_649] {strides = array<i32>} : memref<1024x16xf32, #tpu.memory_space<vmem>>, vector<16xf32>,
        %ne3A_651 = arith.cmpf one, %get3A_650, %get3A_650 : vector<16xf32>
        %select_n3A_652 = arith.select %ne3A_651, %get3A_647, %get3A_650 : vector<16xi1>, vector<16xf32>
        %add3A_653 = vector.broadcast %scan3A_616 : i32 to vector<16xi32>
        %add3A_654 = arith.addi %mul3A_3, %add3A_653 : vector<16xi32>
        tpu.vector_store_idx %arg8[%add3A_654], %select_n3A_652 : memref<16384xf32, #tpu.memory_space<vmem>>[vector<16xi32>], vector<16xf32>,
      }
      %scan3A_208 = arith.constant 1024 : i32
      %dma_start3A_209 = arith.constant 0 : i32
      %dma_start3A_210 = arith.constant 0 : i32
      %dma_start3A_211 = tpu.memref_slice %arg8[%dma_start3A_210] : memref<16384xf32, #tpu.memory_space<vmem>> -> memref<1024xf32, #tpu.memory_space<vmem>>
      %dma_start3A_212 = tpu.memref_slice %arg5[%select_n3A, %dma_start3A_209, %mul3A_44] : memref<26x16x16384xf32, #tpu.memory_space<hbm>> -> memref<1x1x1024xf32, #tpu.memory_space<hbm>>
      %dma_start3A_213 = tpu.memref_squeeze %dma_start3A_212 : memref<1x1x1024xf32, #tpu.memory_space<hbm>> -> memref<1024xf32, #tpu.memory_space<hbm>>
      %dma_start3A_214 = tpu.memref_slice %arg5[%select_n3A, %dma_start3A_209, %mul3A_44] : memref<26x16x16384xf32, #tpu.memory_space<hbm>> -> memref<1x1x1024xf32, #tpu.memory_space<hbm>>
      %dma_start3A_215 = tpu.memref_squeeze %dma_start3A_214 : memref<1x1x1024xf32, #tpu.memory_space<hbm>> -> memref<1024xf32, #tpu.memory_space<hbm>>
      %dma_start3A_216 = arith.constant 0 : i32
      %dma_start3A_217 = tpu.memref_slice %arg8[%dma_start3A_216] : memref<16384xf32, #tpu.memory_space<vmem>> -> memref<1024xf32, #tpu.memory_space<vmem>>
      tpu.enqueue_dma source(%dma_start3A_217 : memref<1024xf32, #tpu.memory_space<vmem>>) target(%dma_start3A_215 : memref<1024xf32, #tpu.memory_space<hbm>>) target_semaphore(%arg11 : memref<!tpu.dma_semaphore, #tpu.memory_space<semaphore_mem>>)
      %dma_start3A_218 = arith.constant 1 : i32
      %dma_start3A_219 = arith.constant 1024 : i32
      %dma_start3A_220 = tpu.memref_slice %arg8[%dma_start3A_219] : memref<16384xf32, #tpu.memory_space<vmem>> -> memref<1024xf32, #tpu.memory_space<vmem>>
      %dma_start3A_221 = tpu.memref_slice %arg5[%select_n3A, %dma_start3A_218, %mul3A_44] : memref<26x16x16384xf32, #tpu.memory_space<hbm>> -> memref<1x1x1024xf32, #tpu.memory_space<hbm>>
      %dma_start3A_222 = tpu.memref_squeeze %dma_start3A_221 : memref<1x1x1024xf32, #tpu.memory_space<hbm>> -> memref<1024xf32, #tpu.memory_space<hbm>>
      %dma_start3A_223 = tpu.memref_slice %arg5[%select_n3A, %dma_start3A_218, %mul3A_44] : memref<26x16x16384xf32, #tpu.memory_space<hbm>> -> memref<1x1x1024xf32, #tpu.memory_space<hbm>>
      %dma_start3A_224 = tpu.memref_squeeze %dma_start3A_223 : memref<1x1x1024xf32, #tpu.memory_space<hbm>> -> memref<1024xf32, #tpu.memory_space<hbm>>
      %dma_start3A_225 = arith.constant 1024 : i32
      %dma_start3A_226 = tpu.memref_slice %arg8[%dma_start3A_225] : memref<16384xf32, #tpu.memory_space<vmem>> -> memref<1024xf32, #tpu.memory_space<vmem>>
      tpu.enqueue_dma source(%dma_start3A_226 : memref<1024xf32, #tpu.memory_space<vmem>>) target(%dma_start3A_224 : memref<1024xf32, #tpu.memory_space<hbm>>) target_semaphore(%arg11 : memref<!tpu.dma_semaphore, #tpu.memory_space<semaphore_mem>>)
      %dma_start3A_227 = arith.constant 2 : i32
      %dma_start3A_228 = arith.constant 2048 : i32
      %dma_start3A_229 = tpu.memref_slice %arg8[%dma_start3A_228] : memref<16384xf32, #tpu.memory_space<vmem>> -> memref<1024xf32, #tpu.memory_space<vmem>>
      %dma_start3A_230 = tpu.memref_slice %arg5[%select_n3A, %dma_start3A_227, %mul3A_44] : memref<26x16x16384xf32, #tpu.memory_space<hbm>> -> memref<1x1x1024xf32, #tpu.memory_space<hbm>>
      %dma_start3A_231 = tpu.memref_squeeze %dma_start3A_230 : memref<1x1x1024xf32, #tpu.memory_space<hbm>> -> memref<1024xf32, #tpu.memory_space<hbm>>
      %dma_start3A_232 = tpu.memref_slice %arg5[%select_n3A, %dma_start3A_227, %mul3A_44] : memref<26x16x16384xf32, #tpu.memory_space<hbm>> -> memref<1x1x1024xf32, #tpu.memory_space<hbm>>
      %dma_start3A_233 = tpu.memref_squeeze %dma_start3A_232 : memref<1x1x1024xf32, #tpu.memory_space<hbm>> -> memref<1024xf32, #tpu.memory_space<hbm>>
      %dma_start3A_234 = arith.constant 2048 : i32
      %dma_start3A_235 = tpu.memref_slice %arg8[%dma_start3A_234] : memref<16384xf32, #tpu.memory_space<vmem>> -> memref<1024xf32, #tpu.memory_space<vmem>>
      tpu.enqueue_dma source(%dma_start3A_235 : memref<1024xf32, #tpu.memory_space<vmem>>) target(%dma_start3A_233 : memref<1024xf32, #tpu.memory_space<hbm>>) target_semaphore(%arg11 : memref<!tpu.dma_semaphore, #tpu.memory_space<semaphore_mem>>)
      %dma_start3A_236 = arith.constant 3 : i32
      %dma_start3A_237 = arith.constant 3072 : i32
      %dma_start3A_238 = tpu.memref_slice %arg8[%dma_start3A_237] : memref<16384xf32, #tpu.memory_space<vmem>> -> memref<1024xf32, #tpu.memory_space<vmem>>
      %dma_start3A_239 = tpu.memref_slice %arg5[%select_n3A, %dma_start3A_236, %mul3A_44] : memref<26x16x16384xf32, #tpu.memory_space<hbm>> -> memref<1x1x1024xf32, #tpu.memory_space<hbm>>
      %dma_start3A_240 = tpu.memref_squeeze %dma_start3A_239 : memref<1x1x1024xf32, #tpu.memory_space<hbm>> -> memref<1024xf32, #tpu.memory_space<hbm>>
      %dma_start3A_241 = tpu.memref_slice %arg5[%select_n3A, %dma_start3A_236, %mul3A_44] : memref<26x16x16384xf32, #tpu.memory_space<hbm>> -> memref<1x1x1024xf32, #tpu.memory_space<hbm>>
      %dma_start3A_242 = tpu.memref_squeeze %dma_start3A_241 : memref<1x1x1024xf32, #tpu.memory_space<hbm>> -> memref<1024xf32, #tpu.memory_space<hbm>>
      %dma_start3A_243 = arith.constant 3072 : i32
      %dma_start3A_244 = tpu.memref_slice %arg8[%dma_start3A_243] : memref<16384xf32, #tpu.memory_space<vmem>> -> memref<1024xf32, #tpu.memory_space<vmem>>
      tpu.enqueue_dma source(%dma_start3A_244 : memref<1024xf32, #tpu.memory_space<vmem>>) target(%dma_start3A_242 : memref<1024xf32, #tpu.memory_space<hbm>>) target_semaphore(%arg11 : memref<!tpu.dma_semaphore, #tpu.memory_space<semaphore_mem>>)
      %dma_start3A_245 = arith.constant 4 : i32
      %dma_start3A_246 = arith.constant 4096 : i32
      %dma_start3A_247 = tpu.memref_slice %arg8[%dma_start3A_246] : memref<16384xf32, #tpu.memory_space<vmem>> -> memref<1024xf32, #tpu.memory_space<vmem>>
      %dma_start3A_248 = tpu.memref_slice %arg5[%select_n3A, %dma_start3A_245, %mul3A_44] : memref<26x16x16384xf32, #tpu.memory_space<hbm>> -> memref<1x1x1024xf32, #tpu.memory_space<hbm>>
      %dma_start3A_249 = tpu.memref_squeeze %dma_start3A_248 : memref<1x1x1024xf32, #tpu.memory_space<hbm>> -> memref<1024xf32, #tpu.memory_space<hbm>>
      %dma_start3A_250 = tpu.memref_slice %arg5[%select_n3A, %dma_start3A_245, %mul3A_44] : memref<26x16x16384xf32, #tpu.memory_space<hbm>> -> memref<1x1x1024xf32, #tpu.memory_space<hbm>>
      %dma_start3A_251 = tpu.memref_squeeze %dma_start3A_250 : memref<1x1x1024xf32, #tpu.memory_space<hbm>> -> memref<1024xf32, #tpu.memory_space<hbm>>
      %dma_start3A_252 = arith.constant 4096 : i32
      %dma_start3A_253 = tpu.memref_slice %arg8[%dma_start3A_252] : memref<16384xf32, #tpu.memory_space<vmem>> -> memref<1024xf32, #tpu.memory_space<vmem>>
      tpu.enqueue_dma source(%dma_start3A_253 : memref<1024xf32, #tpu.memory_space<vmem>>) target(%dma_start3A_251 : memref<1024xf32, #tpu.memory_space<hbm>>) target_semaphore(%arg11 : memref<!tpu.dma_semaphore, #tpu.memory_space<semaphore_mem>>)
      %dma_start3A_254 = arith.constant 5 : i32
      %dma_start3A_255 = arith.constant 5120 : i32
      %dma_start3A_256 = tpu.memref_slice %arg8[%dma_start3A_255] : memref<16384xf32, #tpu.memory_space<vmem>> -> memref<1024xf32, #tpu.memory_space<vmem>>
      %dma_start3A_257 = tpu.memref_slice %arg5[%select_n3A, %dma_start3A_254, %mul3A_44] : memref<26x16x16384xf32, #tpu.memory_space<hbm>> -> memref<1x1x1024xf32, #tpu.memory_space<hbm>>
      %dma_start3A_258 = tpu.memref_squeeze %dma_start3A_257 : memref<1x1x1024xf32, #tpu.memory_space<hbm>> -> memref<1024xf32, #tpu.memory_space<hbm>>
      %dma_start3A_259 = tpu.memref_slice %arg5[%select_n3A, %dma_start3A_254, %mul3A_44] : memref<26x16x16384xf32, #tpu.memory_space<hbm>> -> memref<1x1x1024xf32, #tpu.memory_space<hbm>>
      %dma_start3A_260 = tpu.memref_squeeze %dma_start3A_259 : memref<1x1x1024xf32, #tpu.memory_space<hbm>> -> memref<1024xf32, #tpu.memory_space<hbm>>
      %dma_start3A_261 = arith.constant 5120 : i32
      %dma_start3A_262 = tpu.memref_slice %arg8[%dma_start3A_261] : memref<16384xf32, #tpu.memory_space<vmem>> -> memref<1024xf32, #tpu.memory_space<vmem>>
      tpu.enqueue_dma source(%dma_start3A_262 : memref<1024xf32, #tpu.memory_space<vmem>>) target(%dma_start3A_260 : memref<1024xf32, #tpu.memory_space<hbm>>) target_semaphore(%arg11 : memref<!tpu.dma_semaphore, #tpu.memory_space<semaphore_mem>>)
      %dma_start3A_263 = arith.constant 6 : i32
      %dma_start3A_264 = arith.constant 6144 : i32
      %dma_start3A_265 = tpu.memref_slice %arg8[%dma_start3A_264] : memref<16384xf32, #tpu.memory_space<vmem>> -> memref<1024xf32, #tpu.memory_space<vmem>>
      %dma_start3A_266 = tpu.memref_slice %arg5[%select_n3A, %dma_start3A_263, %mul3A_44] : memref<26x16x16384xf32, #tpu.memory_space<hbm>> -> memref<1x1x1024xf32, #tpu.memory_space<hbm>>
      %dma_start3A_267 = tpu.memref_squeeze %dma_start3A_266 : memref<1x1x1024xf32, #tpu.memory_space<hbm>> -> memref<1024xf32, #tpu.memory_space<hbm>>
      %dma_start3A_268 = tpu.memref_slice %arg5[%select_n3A, %dma_start3A_263, %mul3A_44] : memref<26x16x16384xf32, #tpu.memory_space<hbm>> -> memref<1x1x1024xf32, #tpu.memory_space<hbm>>
      %dma_start3A_269 = tpu.memref_squeeze %dma_start3A_268 : memref<1x1x1024xf32, #tpu.memory_space<hbm>> -> memref<1024xf32, #tpu.memory_space<hbm>>
      %dma_start3A_270 = arith.constant 6144 : i32
      %dma_start3A_271 = tpu.memref_slice %arg8[%dma_start3A_270] : memref<16384xf32, #tpu.memory_space<vmem>> -> memref<1024xf32, #tpu.memory_space<vmem>>
      tpu.enqueue_dma source(%dma_start3A_271 : memref<1024xf32, #tpu.memory_space<vmem>>) target(%dma_start3A_269 : memref<1024xf32, #tpu.memory_space<hbm>>) target_semaphore(%arg11 : memref<!tpu.dma_semaphore, #tpu.memory_space<semaphore_mem>>)
      %dma_start3A_272 = arith.constant 7 : i32
      %dma_start3A_273 = arith.constant 7168 : i32
      %dma_start3A_274 = tpu.memref_slice %arg8[%dma_start3A_273] : memref<16384xf32, #tpu.memory_space<vmem>> -> memref<1024xf32, #tpu.memory_space<vmem>>
      %dma_start3A_275 = tpu.memref_slice %arg5[%select_n3A, %dma_start3A_272, %mul3A_44] : memref<26x16x16384xf32, #tpu.memory_space<hbm>> -> memref<1x1x1024xf32, #tpu.memory_space<hbm>>
      %dma_start3A_276 = tpu.memref_squeeze %dma_start3A_275 : memref<1x1x1024xf32, #tpu.memory_space<hbm>> -> memref<1024xf32, #tpu.memory_space<hbm>>
      %dma_start3A_277 = tpu.memref_slice %arg5[%select_n3A, %dma_start3A_272, %mul3A_44] : memref<26x16x16384xf32, #tpu.memory_space<hbm>> -> memref<1x1x1024xf32, #tpu.memory_space<hbm>>
      %dma_start3A_278 = tpu.memref_squeeze %dma_start3A_277 : memref<1x1x1024xf32, #tpu.memory_space<hbm>> -> memref<1024xf32, #tpu.memory_space<hbm>>
      %dma_start3A_279 = arith.constant 7168 : i32
      %dma_start3A_280 = tpu.memref_slice %arg8[%dma_start3A_279] : memref<16384xf32, #tpu.memory_space<vmem>> -> memref<1024xf32, #tpu.memory_space<vmem>>
      tpu.enqueue_dma source(%dma_start3A_280 : memref<1024xf32, #tpu.memory_space<vmem>>) target(%dma_start3A_278 : memref<1024xf32, #tpu.memory_space<hbm>>) target_semaphore(%arg11 : memref<!tpu.dma_semaphore, #tpu.memory_space<semaphore_mem>>)
      %dma_start3A_281 = arith.constant 8 : i32
      %dma_start3A_282 = arith.constant 8192 : i32
      %dma_start3A_283 = tpu.memref_slice %arg8[%dma_start3A_282] : memref<16384xf32, #tpu.memory_space<vmem>> -> memref<1024xf32, #tpu.memory_space<vmem>>
      %dma_start3A_284 = tpu.memref_slice %arg5[%select_n3A, %dma_start3A_281, %mul3A_44] : memref<26x16x16384xf32, #tpu.memory_space<hbm>> -> memref<1x1x1024xf32, #tpu.memory_space<hbm>>
      %dma_start3A_285 = tpu.memref_squeeze %dma_start3A_284 : memref<1x1x1024xf32, #tpu.memory_space<hbm>> -> memref<1024xf32, #tpu.memory_space<hbm>>
      %dma_start3A_286 = tpu.memref_slice %arg5[%select_n3A, %dma_start3A_281, %mul3A_44] : memref<26x16x16384xf32, #tpu.memory_space<hbm>> -> memref<1x1x1024xf32, #tpu.memory_space<hbm>>
      %dma_start3A_287 = tpu.memref_squeeze %dma_start3A_286 : memref<1x1x1024xf32, #tpu.memory_space<hbm>> -> memref<1024xf32, #tpu.memory_space<hbm>>
      %dma_start3A_288 = arith.constant 8192 : i32
      %dma_start3A_289 = tpu.memref_slice %arg8[%dma_start3A_288] : memref<16384xf32, #tpu.memory_space<vmem>> -> memref<1024xf32, #tpu.memory_space<vmem>>
      tpu.enqueue_dma source(%dma_start3A_289 : memref<1024xf32, #tpu.memory_space<vmem>>) target(%dma_start3A_287 : memref<1024xf32, #tpu.memory_space<hbm>>) target_semaphore(%arg11 : memref<!tpu.dma_semaphore, #tpu.memory_space<semaphore_mem>>)
      %dma_start3A_290 = arith.constant 9 : i32
      %dma_start3A_291 = arith.constant 9216 : i32
      %dma_start3A_292 = tpu.memref_slice %arg8[%dma_start3A_291] : memref<16384xf32, #tpu.memory_space<vmem>> -> memref<1024xf32, #tpu.memory_space<vmem>>
      %dma_start3A_293 = tpu.memref_slice %arg5[%select_n3A, %dma_start3A_290, %mul3A_44] : memref<26x16x16384xf32, #tpu.memory_space<hbm>> -> memref<1x1x1024xf32, #tpu.memory_space<hbm>>
      %dma_start3A_294 = tpu.memref_squeeze %dma_start3A_293 : memref<1x1x1024xf32, #tpu.memory_space<hbm>> -> memref<1024xf32, #tpu.memory_space<hbm>>
      %dma_start3A_295 = tpu.memref_slice %arg5[%select_n3A, %dma_start3A_290, %mul3A_44] : memref<26x16x16384xf32, #tpu.memory_space<hbm>> -> memref<1x1x1024xf32, #tpu.memory_space<hbm>>
      %dma_start3A_296 = tpu.memref_squeeze %dma_start3A_295 : memref<1x1x1024xf32, #tpu.memory_space<hbm>> -> memref<1024xf32, #tpu.memory_space<hbm>>
      %dma_start3A_297 = arith.constant 9216 : i32
      %dma_start3A_298 = tpu.memref_slice %arg8[%dma_start3A_297] : memref<16384xf32, #tpu.memory_space<vmem>> -> memref<1024xf32, #tpu.memory_space<vmem>>
      tpu.enqueue_dma source(%dma_start3A_298 : memref<1024xf32, #tpu.memory_space<vmem>>) target(%dma_start3A_296 : memref<1024xf32, #tpu.memory_space<hbm>>) target_semaphore(%arg11 : memref<!tpu.dma_semaphore, #tpu.memory_space<semaphore_mem>>)
      %dma_start3A_299 = arith.constant 10 : i32
      %dma_start3A_300 = arith.constant 10240 : i32
      %dma_start3A_301 = tpu.memref_slice %arg8[%dma_start3A_300] : memref<16384xf32, #tpu.memory_space<vmem>> -> memref<1024xf32, #tpu.memory_space<vmem>>
      %dma_start3A_302 = tpu.memref_slice %arg5[%select_n3A, %dma_start3A_299, %mul3A_44] : memref<26x16x16384xf32, #tpu.memory_space<hbm>> -> memref<1x1x1024xf32, #tpu.memory_space<hbm>>
      %dma_start3A_303 = tpu.memref_squeeze %dma_start3A_302 : memref<1x1x1024xf32, #tpu.memory_space<hbm>> -> memref<1024xf32, #tpu.memory_space<hbm>>
      %dma_start3A_304 = tpu.memref_slice %arg5[%select_n3A, %dma_start3A_299, %mul3A_44] : memref<26x16x16384xf32, #tpu.memory_space<hbm>> -> memref<1x1x1024xf32, #tpu.memory_space<hbm>>
      %dma_start3A_305 = tpu.memref_squeeze %dma_start3A_304 : memref<1x1x1024xf32, #tpu.memory_space<hbm>> -> memref<1024xf32, #tpu.memory_space<hbm>>
      %dma_start3A_306 = arith.constant 10240 : i32
      %dma_start3A_307 = tpu.memref_slice %arg8[%dma_start3A_306] : memref<16384xf32, #tpu.memory_space<vmem>> -> memref<1024xf32, #tpu.memory_space<vmem>>
      tpu.enqueue_dma source(%dma_start3A_307 : memref<1024xf32, #tpu.memory_space<vmem>>) target(%dma_start3A_305 : memref<1024xf32, #tpu.memory_space<hbm>>) target_semaphore(%arg11 : memref<!tpu.dma_semaphore, #tpu.memory_space<semaphore_mem>>)
      %dma_start3A_308 = arith.constant 11 : i32
      %dma_start3A_309 = arith.constant 11264 : i32
      %dma_start3A_310 = tpu.memref_slice %arg8[%dma_start3A_309] : memref<16384xf32, #tpu.memory_space<vmem>> -> memref<1024xf32, #tpu.memory_space<vmem>>
      %dma_start3A_311 = tpu.memref_slice %arg5[%select_n3A, %dma_start3A_308, %mul3A_44] : memref<26x16x16384xf32, #tpu.memory_space<hbm>> -> memref<1x1x1024xf32, #tpu.memory_space<hbm>>
      %dma_start3A_312 = tpu.memref_squeeze %dma_start3A_311 : memref<1x1x1024xf32, #tpu.memory_space<hbm>> -> memref<1024xf32, #tpu.memory_space<hbm>>
      %dma_start3A_313 = tpu.memref_slice %arg5[%select_n3A, %dma_start3A_308, %mul3A_44] : memref<26x16x16384xf32, #tpu.memory_space<hbm>> -> memref<1x1x1024xf32, #tpu.memory_space<hbm>>
      %dma_start3A_314 = tpu.memref_squeeze %dma_start3A_313 : memref<1x1x1024xf32, #tpu.memory_space<hbm>> -> memref<1024xf32, #tpu.memory_space<hbm>>
      %dma_start3A_315 = arith.constant 11264 : i32
      %dma_start3A_316 = tpu.memref_slice %arg8[%dma_start3A_315] : memref<16384xf32, #tpu.memory_space<vmem>> -> memref<1024xf32, #tpu.memory_space<vmem>>
      tpu.enqueue_dma source(%dma_start3A_316 : memref<1024xf32, #tpu.memory_space<vmem>>) target(%dma_start3A_314 : memref<1024xf32, #tpu.memory_space<hbm>>) target_semaphore(%arg11 : memref<!tpu.dma_semaphore, #tpu.memory_space<semaphore_mem>>)
      %dma_start3A_317 = arith.constant 12 : i32
      %dma_start3A_318 = arith.constant 12288 : i32
      %dma_start3A_319 = tpu.memref_slice %arg8[%dma_start3A_318] : memref<16384xf32, #tpu.memory_space<vmem>> -> memref<1024xf32, #tpu.memory_space<vmem>>
      %dma_start3A_320 = tpu.memref_slice %arg5[%select_n3A, %dma_start3A_317, %mul3A_44] : memref<26x16x16384xf32, #tpu.memory_space<hbm>> -> memref<1x1x1024xf32, #tpu.memory_space<hbm>>
      %dma_start3A_321 = tpu.memref_squeeze %dma_start3A_320 : memref<1x1x1024xf32, #tpu.memory_space<hbm>> -> memref<1024xf32, #tpu.memory_space<hbm>>
      %dma_start3A_322 = tpu.memref_slice %arg5[%select_n3A, %dma_start3A_317, %mul3A_44] : memref<26x16x16384xf32, #tpu.memory_space<hbm>> -> memref<1x1x1024xf32, #tpu.memory_space<hbm>>
      %dma_start3A_323 = tpu.memref_squeeze %dma_start3A_322 : memref<1x1x1024xf32, #tpu.memory_space<hbm>> -> memref<1024xf32, #tpu.memory_space<hbm>>
      %dma_start3A_324 = arith.constant 12288 : i32
      %dma_start3A_325 = tpu.memref_slice %arg8[%dma_start3A_324] : memref<16384xf32, #tpu.memory_space<vmem>> -> memref<1024xf32, #tpu.memory_space<vmem>>
      tpu.enqueue_dma source(%dma_start3A_325 : memref<1024xf32, #tpu.memory_space<vmem>>) target(%dma_start3A_323 : memref<1024xf32, #tpu.memory_space<hbm>>) target_semaphore(%arg11 : memref<!tpu.dma_semaphore, #tpu.memory_space<semaphore_mem>>)
      %dma_start3A_326 = arith.constant 13 : i32
      %dma_start3A_327 = arith.constant 13312 : i32
      %dma_start3A_328 = tpu.memref_slice %arg8[%dma_start3A_327] : memref<16384xf32, #tpu.memory_space<vmem>> -> memref<1024xf32, #tpu.memory_space<vmem>>
      %dma_start3A_329 = tpu.memref_slice %arg5[%select_n3A, %dma_start3A_326, %mul3A_44] : memref<26x16x16384xf32, #tpu.memory_space<hbm>> -> memref<1x1x1024xf32, #tpu.memory_space<hbm>>
      %dma_start3A_330 = tpu.memref_squeeze %dma_start3A_329 : memref<1x1x1024xf32, #tpu.memory_space<hbm>> -> memref<1024xf32, #tpu.memory_space<hbm>>
      %dma_start3A_331 = tpu.memref_slice %arg5[%select_n3A, %dma_start3A_326, %mul3A_44] : memref<26x16x16384xf32, #tpu.memory_space<hbm>> -> memref<1x1x1024xf32, #tpu.memory_space<hbm>>
      %dma_start3A_332 = tpu.memref_squeeze %dma_start3A_331 : memref<1x1x1024xf32, #tpu.memory_space<hbm>> -> memref<1024xf32, #tpu.memory_space<hbm>>
      %dma_start3A_333 = arith.constant 13312 : i32
      %dma_start3A_334 = tpu.memref_slice %arg8[%dma_start3A_333] : memref<16384xf32, #tpu.memory_space<vmem>> -> memref<1024xf32, #tpu.memory_space<vmem>>
      tpu.enqueue_dma source(%dma_start3A_334 : memref<1024xf32, #tpu.memory_space<vmem>>) target(%dma_start3A_332 : memref<1024xf32, #tpu.memory_space<hbm>>) target_semaphore(%arg11 : memref<!tpu.dma_semaphore, #tpu.memory_space<semaphore_mem>>)
      %dma_start3A_335 = arith.constant 14 : i32
      %dma_start3A_336 = arith.constant 14336 : i32
      %dma_start3A_337 = tpu.memref_slice %arg8[%dma_start3A_336] : memref<16384xf32, #tpu.memory_space<vmem>> -> memref<1024xf32, #tpu.memory_space<vmem>>
      %dma_start3A_338 = tpu.memref_slice %arg5[%select_n3A, %dma_start3A_335, %mul3A_44] : memref<26x16x16384xf32, #tpu.memory_space<hbm>> -> memref<1x1x1024xf32, #tpu.memory_space<hbm>>
      %dma_start3A_339 = tpu.memref_squeeze %dma_start3A_338 : memref<1x1x1024xf32, #tpu.memory_space<hbm>> -> memref<1024xf32, #tpu.memory_space<hbm>>
      %dma_start3A_340 = tpu.memref_slice %arg5[%select_n3A, %dma_start3A_335, %mul3A_44] : memref<26x16x16384xf32, #tpu.memory_space<hbm>> -> memref<1x1x1024xf32, #tpu.memory_space<hbm>>
      %dma_start3A_341 = tpu.memref_squeeze %dma_start3A_340 : memref<1x1x1024xf32, #tpu.memory_space<hbm>> -> memref<1024xf32, #tpu.memory_space<hbm>>
      %dma_start3A_342 = arith.constant 14336 : i32
      %dma_start3A_343 = tpu.memref_slice %arg8[%dma_start3A_342] : memref<16384xf32, #tpu.memory_space<vmem>> -> memref<1024xf32, #tpu.memory_space<vmem>>
      tpu.enqueue_dma source(%dma_start3A_343 : memref<1024xf32, #tpu.memory_space<vmem>>) target(%dma_start3A_341 : memref<1024xf32, #tpu.memory_space<hbm>>) target_semaphore(%arg11 : memref<!tpu.dma_semaphore, #tpu.memory_space<semaphore_mem>>)
      %dma_start3A_344 = arith.constant 15 : i32
      %dma_start3A_345 = arith.constant 15360 : i32
      %dma_start3A_346 = tpu.memref_slice %arg8[%dma_start3A_345] : memref<16384xf32, #tpu.memory_space<vmem>> -> memref<1024xf32, #tpu.memory_space<vmem>>
      %dma_start3A_347 = tpu.memref_slice %arg5[%select_n3A, %dma_start3A_344, %mul3A_44] : memref<26x16x16384xf32, #tpu.memory_space<hbm>> -> memref<1x1x1024xf32, #tpu.memory_space<hbm>>
      %dma_start3A_348 = tpu.memref_squeeze %dma_start3A_347 : memref<1x1x1024xf32, #tpu.memory_space<hbm>> -> memref<1024xf32, #tpu.memory_space<hbm>>
      %dma_start3A_349 = tpu.memref_slice %arg5[%select_n3A, %dma_start3A_344, %mul3A_44] : memref<26x16x16384xf32, #tpu.memory_space<hbm>> -> memref<1x1x1024xf32, #tpu.memory_space<hbm>>
      %dma_start3A_350 = tpu.memref_squeeze %dma_start3A_349 : memref<1x1x1024xf32, #tpu.memory_space<hbm>> -> memref<1024xf32, #tpu.memory_space<hbm>>
      %dma_start3A_351 = arith.constant 15360 : i32
      %dma_start3A_352 = tpu.memref_slice %arg8[%dma_start3A_351] : memref<16384xf32, #tpu.memory_space<vmem>> -> memref<1024xf32, #tpu.memory_space<vmem>>
      tpu.enqueue_dma source(%dma_start3A_352 : memref<1024xf32, #tpu.memory_space<vmem>>) target(%dma_start3A_350 : memref<1024xf32, #tpu.memory_space<hbm>>) target_semaphore(%arg11 : memref<!tpu.dma_semaphore, #tpu.memory_space<semaphore_mem>>)
      %dma_wait3A_353 = arith.constant 0 : i32
      %dma_wait3A_354 = arith.constant 0 : i32
      %dma_wait3A_355 = tpu.memref_slice %arg8[%dma_wait3A_354] : memref<16384xf32, #tpu.memory_space<vmem>> -> memref<1024xf32, #tpu.memory_space<vmem>>
      %dma_wait3A_356 = tpu.memref_slice %arg5[%select_n3A, %dma_wait3A_353, %mul3A_44] : memref<26x16x16384xf32, #tpu.memory_space<hbm>> -> memref<1x1x1024xf32, #tpu.memory_space<hbm>>
      %dma_wait3A_357 = tpu.memref_squeeze %dma_wait3A_356 : memref<1x1x1024xf32, #tpu.memory_space<hbm>> -> memref<1024xf32, #tpu.memory_space<hbm>>
      %dma_wait3A_358 = tpu.memref_slice %arg5[%select_n3A, %dma_wait3A_353, %mul3A_44] : memref<26x16x16384xf32, #tpu.memory_space<hbm>> -> memref<1x1x1024xf32, #tpu.memory_space<hbm>>
      %dma_wait3A_359 = tpu.memref_squeeze %dma_wait3A_358 : memref<1x1x1024xf32, #tpu.memory_space<hbm>> -> memref<1024xf32, #tpu.memory_space<hbm>>
      %dma_wait3A_360 = arith.constant 0 : i32
      %dma_wait3A_361 = tpu.memref_slice %arg8[%dma_wait3A_360] : memref<16384xf32, #tpu.memory_space<vmem>> -> memref<1024xf32, #tpu.memory_space<vmem>>
      tpu.wait_dma2 semaphore(%arg11 : memref<!tpu.dma_semaphore, #tpu.memory_space<semaphore_mem>>) src(%dma_wait3A_361 : memref<1024xf32, #tpu.memory_space<vmem>>) dst(%dma_wait3A_359 : memref<1024xf32, #tpu.memory_space<hbm>>)
      %dma_wait3A_362 = arith.constant 1 : i32
      %dma_wait3A_363 = arith.constant 1024 : i32
      %dma_wait3A_364 = tpu.memref_slice %arg8[%dma_wait3A_363] : memref<16384xf32, #tpu.memory_space<vmem>> -> memref<1024xf32, #tpu.memory_space<vmem>>
      %dma_wait3A_365 = tpu.memref_slice %arg5[%select_n3A, %dma_wait3A_362, %mul3A_44] : memref<26x16x16384xf32, #tpu.memory_space<hbm>> -> memref<1x1x1024xf32, #tpu.memory_space<hbm>>
      %dma_wait3A_366 = tpu.memref_squeeze %dma_wait3A_365 : memref<1x1x1024xf32, #tpu.memory_space<hbm>> -> memref<1024xf32, #tpu.memory_space<hbm>>
      %dma_wait3A_367 = tpu.memref_slice %arg5[%select_n3A, %dma_wait3A_362, %mul3A_44] : memref<26x16x16384xf32, #tpu.memory_space<hbm>> -> memref<1x1x1024xf32, #tpu.memory_space<hbm>>
      %dma_wait3A_368 = tpu.memref_squeeze %dma_wait3A_367 : memref<1x1x1024xf32, #tpu.memory_space<hbm>> -> memref<1024xf32, #tpu.memory_space<hbm>>
      %dma_wait3A_369 = arith.constant 1024 : i32
      %dma_wait3A_370 = tpu.memref_slice %arg8[%dma_wait3A_369] : memref<16384xf32, #tpu.memory_space<vmem>> -> memref<1024xf32, #tpu.memory_space<vmem>>
      tpu.wait_dma2 semaphore(%arg11 : memref<!tpu.dma_semaphore, #tpu.memory_space<semaphore_mem>>) src(%dma_wait3A_370 : memref<1024xf32, #tpu.memory_space<vmem>>) dst(%dma_wait3A_368 : memref<1024xf32, #tpu.memory_space<hbm>>)
      %dma_wait3A_371 = arith.constant 2 : i32
      %dma_wait3A_372 = arith.constant 2048 : i32
      %dma_wait3A_373 = tpu.memref_slice %arg8[%dma_wait3A_372] : memref<16384xf32, #tpu.memory_space<vmem>> -> memref<1024xf32, #tpu.memory_space<vmem>>
      %dma_wait3A_374 = tpu.memref_slice %arg5[%select_n3A, %dma_wait3A_371, %mul3A_44] : memref<26x16x16384xf32, #tpu.memory_space<hbm>> -> memref<1x1x1024xf32, #tpu.memory_space<hbm>>
      %dma_wait3A_375 = tpu.memref_squeeze %dma_wait3A_374 : memref<1x1x1024xf32, #tpu.memory_space<hbm>> -> memref<1024xf32, #tpu.memory_space<hbm>>
      %dma_wait3A_376 = tpu.memref_slice %arg5[%select_n3A, %dma_wait3A_371, %mul3A_44] : memref<26x16x16384xf32, #tpu.memory_space<hbm>> -> memref<1x1x1024xf32, #tpu.memory_space<hbm>>
      %dma_wait3A_377 = tpu.memref_squeeze %dma_wait3A_376 : memref<1x1x1024xf32, #tpu.memory_space<hbm>> -> memref<1024xf32, #tpu.memory_space<hbm>>
      %dma_wait3A_378 = arith.constant 2048 : i32
      %dma_wait3A_379 = tpu.memref_slice %arg8[%dma_wait3A_378] : memref<16384xf32, #tpu.memory_space<vmem>> -> memref<1024xf32, #tpu.memory_space<vmem>>
      tpu.wait_dma2 semaphore(%arg11 : memref<!tpu.dma_semaphore, #tpu.memory_space<semaphore_mem>>) src(%dma_wait3A_379 : memref<1024xf32, #tpu.memory_space<vmem>>) dst(%dma_wait3A_377 : memref<1024xf32, #tpu.memory_space<hbm>>)
      %dma_wait3A_380 = arith.constant 3 : i32
      %dma_wait3A_381 = arith.constant 3072 : i32
      %dma_wait3A_382 = tpu.memref_slice %arg8[%dma_wait3A_381] : memref<16384xf32, #tpu.memory_space<vmem>> -> memref<1024xf32, #tpu.memory_space<vmem>>
      %dma_wait3A_383 = tpu.memref_slice %arg5[%select_n3A, %dma_wait3A_380, %mul3A_44] : memref<26x16x16384xf32, #tpu.memory_space<hbm>> -> memref<1x1x1024xf32, #tpu.memory_space<hbm>>
      %dma_wait3A_384 = tpu.memref_squeeze %dma_wait3A_383 : memref<1x1x1024xf32, #tpu.memory_space<hbm>> -> memref<1024xf32, #tpu.memory_space<hbm>>
      %dma_wait3A_385 = tpu.memref_slice %arg5[%select_n3A, %dma_wait3A_380, %mul3A_44] : memref<26x16x16384xf32, #tpu.memory_space<hbm>> -> memref<1x1x1024xf32, #tpu.memory_space<hbm>>
      %dma_wait3A_386 = tpu.memref_squeeze %dma_wait3A_385 : memref<1x1x1024xf32, #tpu.memory_space<hbm>> -> memref<1024xf32, #tpu.memory_space<hbm>>
      %dma_wait3A_387 = arith.constant 3072 : i32
      %dma_wait3A_388 = tpu.memref_slice %arg8[%dma_wait3A_387] : memref<16384xf32, #tpu.memory_space<vmem>> -> memref<1024xf32, #tpu.memory_space<vmem>>
      tpu.wait_dma2 semaphore(%arg11 : memref<!tpu.dma_semaphore, #tpu.memory_space<semaphore_mem>>) src(%dma_wait3A_388 : memref<1024xf32, #tpu.memory_space<vmem>>) dst(%dma_wait3A_386 : memref<1024xf32, #tpu.memory_space<hbm>>)
      %dma_wait3A_389 = arith.constant 4 : i32
      %dma_wait3A_390 = arith.constant 4096 : i32
      %dma_wait3A_391 = tpu.memref_slice %arg8[%dma_wait3A_390] : memref<16384xf32, #tpu.memory_space<vmem>> -> memref<1024xf32, #tpu.memory_space<vmem>>
      %dma_wait3A_392 = tpu.memref_slice %arg5[%select_n3A, %dma_wait3A_389, %mul3A_44] : memref<26x16x16384xf32, #tpu.memory_space<hbm>> -> memref<1x1x1024xf32, #tpu.memory_space<hbm>>
      %dma_wait3A_393 = tpu.memref_squeeze %dma_wait3A_392 : memref<1x1x1024xf32, #tpu.memory_space<hbm>> -> memref<1024xf32, #tpu.memory_space<hbm>>
      %dma_wait3A_394 = tpu.memref_slice %arg5[%select_n3A, %dma_wait3A_389, %mul3A_44] : memref<26x16x16384xf32, #tpu.memory_space<hbm>> -> memref<1x1x1024xf32, #tpu.memory_space<hbm>>
      %dma_wait3A_395 = tpu.memref_squeeze %dma_wait3A_394 : memref<1x1x1024xf32, #tpu.memory_space<hbm>> -> memref<1024xf32, #tpu.memory_space<hbm>>
      %dma_wait3A_396 = arith.constant 4096 : i32
      %dma_wait3A_397 = tpu.memref_slice %arg8[%dma_wait3A_396] : memref<16384xf32, #tpu.memory_space<vmem>> -> memref<1024xf32, #tpu.memory_space<vmem>>
      tpu.wait_dma2 semaphore(%arg11 : memref<!tpu.dma_semaphore, #tpu.memory_space<semaphore_mem>>) src(%dma_wait3A_397 : memref<1024xf32, #tpu.memory_space<vmem>>) dst(%dma_wait3A_395 : memref<1024xf32, #tpu.memory_space<hbm>>)
      %dma_wait3A_398 = arith.constant 5 : i32
      %dma_wait3A_399 = arith.constant 5120 : i32
      %dma_wait3A_400 = tpu.memref_slice %arg8[%dma_wait3A_399] : memref<16384xf32, #tpu.memory_space<vmem>> -> memref<1024xf32, #tpu.memory_space<vmem>>
      %dma_wait3A_401 = tpu.memref_slice %arg5[%select_n3A, %dma_wait3A_398, %mul3A_44] : memref<26x16x16384xf32, #tpu.memory_space<hbm>> -> memref<1x1x1024xf32, #tpu.memory_space<hbm>>
      %dma_wait3A_402 = tpu.memref_squeeze %dma_wait3A_401 : memref<1x1x1024xf32, #tpu.memory_space<hbm>> -> memref<1024xf32, #tpu.memory_space<hbm>>
      %dma_wait3A_403 = tpu.memref_slice %arg5[%select_n3A, %dma_wait3A_398, %mul3A_44] : memref<26x16x16384xf32, #tpu.memory_space<hbm>> -> memref<1x1x1024xf32, #tpu.memory_space<hbm>>
      %dma_wait3A_404 = tpu.memref_squeeze %dma_wait3A_403 : memref<1x1x1024xf32, #tpu.memory_space<hbm>> -> memref<1024xf32, #tpu.memory_space<hbm>>
      %dma_wait3A_405 = arith.constant 5120 : i32
      %dma_wait3A_406 = tpu.memref_slice %arg8[%dma_wait3A_405] : memref<16384xf32, #tpu.memory_space<vmem>> -> memref<1024xf32, #tpu.memory_space<vmem>>
      tpu.wait_dma2 semaphore(%arg11 : memref<!tpu.dma_semaphore, #tpu.memory_space<semaphore_mem>>) src(%dma_wait3A_406 : memref<1024xf32, #tpu.memory_space<vmem>>) dst(%dma_wait3A_404 : memref<1024xf32, #tpu.memory_space<hbm>>)
      %dma_wait3A_407 = arith.constant 6 : i32
      %dma_wait3A_408 = arith.constant 6144 : i32
      %dma_wait3A_409 = tpu.memref_slice %arg8[%dma_wait3A_408] : memref<16384xf32, #tpu.memory_space<vmem>> -> memref<1024xf32, #tpu.memory_space<vmem>>
      %dma_wait3A_410 = tpu.memref_slice %arg5[%select_n3A, %dma_wait3A_407, %mul3A_44] : memref<26x16x16384xf32, #tpu.memory_space<hbm>> -> memref<1x1x1024xf32, #tpu.memory_space<hbm>>
      %dma_wait3A_411 = tpu.memref_squeeze %dma_wait3A_410 : memref<1x1x1024xf32, #tpu.memory_space<hbm>> -> memref<1024xf32, #tpu.memory_space<hbm>>
      %dma_wait3A_412 = tpu.memref_slice %arg5[%select_n3A, %dma_wait3A_407, %mul3A_44] : memref<26x16x16384xf32, #tpu.memory_space<hbm>> -> memref<1x1x1024xf32, #tpu.memory_space<hbm>>
      %dma_wait3A_413 = tpu.memref_squeeze %dma_wait3A_412 : memref<1x1x1024xf32, #tpu.memory_space<hbm>> -> memref<1024xf32, #tpu.memory_space<hbm>>
      %dma_wait3A_414 = arith.constant 6144 : i32
      %dma_wait3A_415 = tpu.memref_slice %arg8[%dma_wait3A_414] : memref<16384xf32, #tpu.memory_space<vmem>> -> memref<1024xf32, #tpu.memory_space<vmem>>
      tpu.wait_dma2 semaphore(%arg11 : memref<!tpu.dma_semaphore, #tpu.memory_space<semaphore_mem>>) src(%dma_wait3A_415 : memref<1024xf32, #tpu.memory_space<vmem>>) dst(%dma_wait3A_413 : memref<1024xf32, #tpu.memory_space<hbm>>)
      %dma_wait3A_416 = arith.constant 7 : i32
      %dma_wait3A_417 = arith.constant 7168 : i32
      %dma_wait3A_418 = tpu.memref_slice %arg8[%dma_wait3A_417] : memref<16384xf32, #tpu.memory_space<vmem>> -> memref<1024xf32, #tpu.memory_space<vmem>>
      %dma_wait3A_419 = tpu.memref_slice %arg5[%select_n3A, %dma_wait3A_416, %mul3A_44] : memref<26x16x16384xf32, #tpu.memory_space<hbm>> -> memref<1x1x1024xf32, #tpu.memory_space<hbm>>
      %dma_wait3A_420 = tpu.memref_squeeze %dma_wait3A_419 : memref<1x1x1024xf32, #tpu.memory_space<hbm>> -> memref<1024xf32, #tpu.memory_space<hbm>>
      %dma_wait3A_421 = tpu.memref_slice %arg5[%select_n3A, %dma_wait3A_416, %mul3A_44] : memref<26x16x16384xf32, #tpu.memory_space<hbm>> -> memref<1x1x1024xf32, #tpu.memory_space<hbm>>
      %dma_wait3A_422 = tpu.memref_squeeze %dma_wait3A_421 : memref<1x1x1024xf32, #tpu.memory_space<hbm>> -> memref<1024xf32, #tpu.memory_space<hbm>>
      %dma_wait3A_423 = arith.constant 7168 : i32
      %dma_wait3A_424 = tpu.memref_slice %arg8[%dma_wait3A_423] : memref<16384xf32, #tpu.memory_space<vmem>> -> memref<1024xf32, #tpu.memory_space<vmem>>
      tpu.wait_dma2 semaphore(%arg11 : memref<!tpu.dma_semaphore, #tpu.memory_space<semaphore_mem>>) src(%dma_wait3A_424 : memref<1024xf32, #tpu.memory_space<vmem>>) dst(%dma_wait3A_422 : memref<1024xf32, #tpu.memory_space<hbm>>)
      %dma_wait3A_425 = arith.constant 8 : i32
      %dma_wait3A_426 = arith.constant 8192 : i32
      %dma_wait3A_427 = tpu.memref_slice %arg8[%dma_wait3A_426] : memref<16384xf32, #tpu.memory_space<vmem>> -> memref<1024xf32, #tpu.memory_space<vmem>>
      %dma_wait3A_428 = tpu.memref_slice %arg5[%select_n3A, %dma_wait3A_425, %mul3A_44] : memref<26x16x16384xf32, #tpu.memory_space<hbm>> -> memref<1x1x1024xf32, #tpu.memory_space<hbm>>
      %dma_wait3A_429 = tpu.memref_squeeze %dma_wait3A_428 : memref<1x1x1024xf32, #tpu.memory_space<hbm>> -> memref<1024xf32, #tpu.memory_space<hbm>>
      %dma_wait3A_430 = tpu.memref_slice %arg5[%select_n3A, %dma_wait3A_425, %mul3A_44] : memref<26x16x16384xf32, #tpu.memory_space<hbm>> -> memref<1x1x1024xf32, #tpu.memory_space<hbm>>
      %dma_wait3A_431 = tpu.memref_squeeze %dma_wait3A_430 : memref<1x1x1024xf32, #tpu.memory_space<hbm>> -> memref<1024xf32, #tpu.memory_space<hbm>>
      %dma_wait3A_432 = arith.constant 8192 : i32
      %dma_wait3A_433 = tpu.memref_slice %arg8[%dma_wait3A_432] : memref<16384xf32, #tpu.memory_space<vmem>> -> memref<1024xf32, #tpu.memory_space<vmem>>
      tpu.wait_dma2 semaphore(%arg11 : memref<!tpu.dma_semaphore, #tpu.memory_space<semaphore_mem>>) src(%dma_wait3A_433 : memref<1024xf32, #tpu.memory_space<vmem>>) dst(%dma_wait3A_431 : memref<1024xf32, #tpu.memory_space<hbm>>)
      %dma_wait3A_434 = arith.constant 9 : i32
      %dma_wait3A_435 = arith.constant 9216 : i32
      %dma_wait3A_436 = tpu.memref_slice %arg8[%dma_wait3A_435] : memref<16384xf32, #tpu.memory_space<vmem>> -> memref<1024xf32, #tpu.memory_space<vmem>>
      %dma_wait3A_437 = tpu.memref_slice %arg5[%select_n3A, %dma_wait3A_434, %mul3A_44] : memref<26x16x16384xf32, #tpu.memory_space<hbm>> -> memref<1x1x1024xf32, #tpu.memory_space<hbm>>
      %dma_wait3A_438 = tpu.memref_squeeze %dma_wait3A_437 : memref<1x1x1024xf32, #tpu.memory_space<hbm>> -> memref<1024xf32, #tpu.memory_space<hbm>>
      %dma_wait3A_439 = tpu.memref_slice %arg5[%select_n3A, %dma_wait3A_434, %mul3A_44] : memref<26x16x16384xf32, #tpu.memory_space<hbm>> -> memref<1x1x1024xf32, #tpu.memory_space<hbm>>
      %dma_wait3A_440 = tpu.memref_squeeze %dma_wait3A_439 : memref<1x1x1024xf32, #tpu.memory_space<hbm>> -> memref<1024xf32, #tpu.memory_space<hbm>>
      %dma_wait3A_441 = arith.constant 9216 : i32
      %dma_wait3A_442 = tpu.memref_slice %arg8[%dma_wait3A_441] : memref<16384xf32, #tpu.memory_space<vmem>> -> memref<1024xf32, #tpu.memory_space<vmem>>
      tpu.wait_dma2 semaphore(%arg11 : memref<!tpu.dma_semaphore, #tpu.memory_space<semaphore_mem>>) src(%dma_wait3A_442 : memref<1024xf32, #tpu.memory_space<vmem>>) dst(%dma_wait3A_440 : memref<1024xf32, #tpu.memory_space<hbm>>)
      %dma_wait3A_443 = arith.constant 10 : i32
      %dma_wait3A_444 = arith.constant 10240 : i32
      %dma_wait3A_445 = tpu.memref_slice %arg8[%dma_wait3A_444] : memref<16384xf32, #tpu.memory_space<vmem>> -> memref<1024xf32, #tpu.memory_space<vmem>>
      %dma_wait3A_446 = tpu.memref_slice %arg5[%select_n3A, %dma_wait3A_443, %mul3A_44] : memref<26x16x16384xf32, #tpu.memory_space<hbm>> -> memref<1x1x1024xf32, #tpu.memory_space<hbm>>
      %dma_wait3A_447 = tpu.memref_squeeze %dma_wait3A_446 : memref<1x1x1024xf32, #tpu.memory_space<hbm>> -> memref<1024xf32, #tpu.memory_space<hbm>>
      %dma_wait3A_448 = tpu.memref_slice %arg5[%select_n3A, %dma_wait3A_443, %mul3A_44] : memref<26x16x16384xf32, #tpu.memory_space<hbm>> -> memref<1x1x1024xf32, #tpu.memory_space<hbm>>
      %dma_wait3A_449 = tpu.memref_squeeze %dma_wait3A_448 : memref<1x1x1024xf32, #tpu.memory_space<hbm>> -> memref<1024xf32, #tpu.memory_space<hbm>>
      %dma_wait3A_450 = arith.constant 10240 : i32
      %dma_wait3A_451 = tpu.memref_slice %arg8[%dma_wait3A_450] : memref<16384xf32, #tpu.memory_space<vmem>> -> memref<1024xf32, #tpu.memory_space<vmem>>
      tpu.wait_dma2 semaphore(%arg11 : memref<!tpu.dma_semaphore, #tpu.memory_space<semaphore_mem>>) src(%dma_wait3A_451 : memref<1024xf32, #tpu.memory_space<vmem>>) dst(%dma_wait3A_449 : memref<1024xf32, #tpu.memory_space<hbm>>)
      %dma_wait3A_452 = arith.constant 11 : i32
      %dma_wait3A_453 = arith.constant 11264 : i32
      %dma_wait3A_454 = tpu.memref_slice %arg8[%dma_wait3A_453] : memref<16384xf32, #tpu.memory_space<vmem>> -> memref<1024xf32, #tpu.memory_space<vmem>>
      %dma_wait3A_455 = tpu.memref_slice %arg5[%select_n3A, %dma_wait3A_452, %mul3A_44] : memref<26x16x16384xf32, #tpu.memory_space<hbm>> -> memref<1x1x1024xf32, #tpu.memory_space<hbm>>
      %dma_wait3A_456 = tpu.memref_squeeze %dma_wait3A_455 : memref<1x1x1024xf32, #tpu.memory_space<hbm>> -> memref<1024xf32, #tpu.memory_space<hbm>>
      %dma_wait3A_457 = tpu.memref_slice %arg5[%select_n3A, %dma_wait3A_452, %mul3A_44] : memref<26x16x16384xf32, #tpu.memory_space<hbm>> -> memref<1x1x1024xf32, #tpu.memory_space<hbm>>
      %dma_wait3A_458 = tpu.memref_squeeze %dma_wait3A_457 : memref<1x1x1024xf32, #tpu.memory_space<hbm>> -> memref<1024xf32, #tpu.memory_space<hbm>>
      %dma_wait3A_459 = arith.constant 11264 : i32
      %dma_wait3A_460 = tpu.memref_slice %arg8[%dma_wait3A_459] : memref<16384xf32, #tpu.memory_space<vmem>> -> memref<1024xf32, #tpu.memory_space<vmem>>
      tpu.wait_dma2 semaphore(%arg11 : memref<!tpu.dma_semaphore, #tpu.memory_space<semaphore_mem>>) src(%dma_wait3A_460 : memref<1024xf32, #tpu.memory_space<vmem>>) dst(%dma_wait3A_458 : memref<1024xf32, #tpu.memory_space<hbm>>)
      %dma_wait3A_461 = arith.constant 12 : i32
      %dma_wait3A_462 = arith.constant 12288 : i32
      %dma_wait3A_463 = tpu.memref_slice %arg8[%dma_wait3A_462] : memref<16384xf32, #tpu.memory_space<vmem>> -> memref<1024xf32, #tpu.memory_space<vmem>>
      %dma_wait3A_464 = tpu.memref_slice %arg5[%select_n3A, %dma_wait3A_461, %mul3A_44] : memref<26x16x16384xf32, #tpu.memory_space<hbm>> -> memref<1x1x1024xf32, #tpu.memory_space<hbm>>
      %dma_wait3A_465 = tpu.memref_squeeze %dma_wait3A_464 : memref<1x1x1024xf32, #tpu.memory_space<hbm>> -> memref<1024xf32, #tpu.memory_space<hbm>>
      %dma_wait3A_466 = tpu.memref_slice %arg5[%select_n3A, %dma_wait3A_461, %mul3A_44] : memref<26x16x16384xf32, #tpu.memory_space<hbm>> -> memref<1x1x1024xf32, #tpu.memory_space<hbm>>
      %dma_wait3A_467 = tpu.memref_squeeze %dma_wait3A_466 : memref<1x1x1024xf32, #tpu.memory_space<hbm>> -> memref<1024xf32, #tpu.memory_space<hbm>>
      %dma_wait3A_468 = arith.constant 12288 : i32
      %dma_wait3A_469 = tpu.memref_slice %arg8[%dma_wait3A_468] : memref<16384xf32, #tpu.memory_space<vmem>> -> memref<1024xf32, #tpu.memory_space<vmem>>
      tpu.wait_dma2 semaphore(%arg11 : memref<!tpu.dma_semaphore, #tpu.memory_space<semaphore_mem>>) src(%dma_wait3A_469 : memref<1024xf32, #tpu.memory_space<vmem>>) dst(%dma_wait3A_467 : memref<1024xf32, #tpu.memory_space<hbm>>)
      %dma_wait3A_470 = arith.constant 13 : i32
      %dma_wait3A_471 = arith.constant 13312 : i32
      %dma_wait3A_472 = tpu.memref_slice %arg8[%dma_wait3A_471] : memref<16384xf32, #tpu.memory_space<vmem>> -> memref<1024xf32, #tpu.memory_space<vmem>>
      %dma_wait3A_473 = tpu.memref_slice %arg5[%select_n3A, %dma_wait3A_470, %mul3A_44] : memref<26x16x16384xf32, #tpu.memory_space<hbm>> -> memref<1x1x1024xf32, #tpu.memory_space<hbm>>
      %dma_wait3A_474 = tpu.memref_squeeze %dma_wait3A_473 : memref<1x1x1024xf32, #tpu.memory_space<hbm>> -> memref<1024xf32, #tpu.memory_space<hbm>>
      %dma_wait3A_475 = tpu.memref_slice %arg5[%select_n3A, %dma_wait3A_470, %mul3A_44] : memref<26x16x16384xf32, #tpu.memory_space<hbm>> -> memref<1x1x1024xf32, #tpu.memory_space<hbm>>
      %dma_wait3A_476 = tpu.memref_squeeze %dma_wait3A_475 : memref<1x1x1024xf32, #tpu.memory_space<hbm>> -> memref<1024xf32, #tpu.memory_space<hbm>>
      %dma_wait3A_477 = arith.constant 13312 : i32
      %dma_wait3A_478 = tpu.memref_slice %arg8[%dma_wait3A_477] : memref<16384xf32, #tpu.memory_space<vmem>> -> memref<1024xf32, #tpu.memory_space<vmem>>
      tpu.wait_dma2 semaphore(%arg11 : memref<!tpu.dma_semaphore, #tpu.memory_space<semaphore_mem>>) src(%dma_wait3A_478 : memref<1024xf32, #tpu.memory_space<vmem>>) dst(%dma_wait3A_476 : memref<1024xf32, #tpu.memory_space<hbm>>)
      %dma_wait3A_479 = arith.constant 14 : i32
      %dma_wait3A_480 = arith.constant 14336 : i32
      %dma_wait3A_481 = tpu.memref_slice %arg8[%dma_wait3A_480] : memref<16384xf32, #tpu.memory_space<vmem>> -> memref<1024xf32, #tpu.memory_space<vmem>>
      %dma_wait3A_482 = tpu.memref_slice %arg5[%select_n3A, %dma_wait3A_479, %mul3A_44] : memref<26x16x16384xf32, #tpu.memory_space<hbm>> -> memref<1x1x1024xf32, #tpu.memory_space<hbm>>
      %dma_wait3A_483 = tpu.memref_squeeze %dma_wait3A_482 : memref<1x1x1024xf32, #tpu.memory_space<hbm>> -> memref<1024xf32, #tpu.memory_space<hbm>>
      %dma_wait3A_484 = tpu.memref_slice %arg5[%select_n3A, %dma_wait3A_479, %mul3A_44] : memref<26x16x16384xf32, #tpu.memory_space<hbm>> -> memref<1x1x1024xf32, #tpu.memory_space<hbm>>
      %dma_wait3A_485 = tpu.memref_squeeze %dma_wait3A_484 : memref<1x1x1024xf32, #tpu.memory_space<hbm>> -> memref<1024xf32, #tpu.memory_space<hbm>>
      %dma_wait3A_486 = arith.constant 14336 : i32
      %dma_wait3A_487 = tpu.memref_slice %arg8[%dma_wait3A_486] : memref<16384xf32, #tpu.memory_space<vmem>> -> memref<1024xf32, #tpu.memory_space<vmem>>
      tpu.wait_dma2 semaphore(%arg11 : memref<!tpu.dma_semaphore, #tpu.memory_space<semaphore_mem>>) src(%dma_wait3A_487 : memref<1024xf32, #tpu.memory_space<vmem>>) dst(%dma_wait3A_485 : memref<1024xf32, #tpu.memory_space<hbm>>)
      %dma_wait3A_488 = arith.constant 15 : i32
      %dma_wait3A_489 = arith.constant 15360 : i32
      %dma_wait3A_490 = tpu.memref_slice %arg8[%dma_wait3A_489] : memref<16384xf32, #tpu.memory_space<vmem>> -> memref<1024xf32, #tpu.memory_space<vmem>>
      %dma_wait3A_491 = tpu.memref_slice %arg5[%select_n3A, %dma_wait3A_488, %mul3A_44] : memref<26x16x16384xf32, #tpu.memory_space<hbm>> -> memref<1x1x1024xf32, #tpu.memory_space<hbm>>
      %dma_wait3A_492 = tpu.memref_squeeze %dma_wait3A_491 : memref<1x1x1024xf32, #tpu.memory_space<hbm>> -> memref<1024xf32, #tpu.memory_space<hbm>>
      %dma_wait3A_493 = tpu.memref_slice %arg5[%select_n3A, %dma_wait3A_488, %mul3A_44] : memref<26x16x16384xf32, #tpu.memory_space<hbm>> -> memref<1x1x1024xf32, #tpu.memory_space<hbm>>
      %dma_wait3A_494 = tpu.memref_squeeze %dma_wait3A_493 : memref<1x1x1024xf32, #tpu.memory_space<hbm>> -> memref<1024xf32, #tpu.memory_space<hbm>>
      %dma_wait3A_495 = arith.constant 15360 : i32
      %dma_wait3A_496 = tpu.memref_slice %arg8[%dma_wait3A_495] : memref<16384xf32, #tpu.memory_space<vmem>> -> memref<1024xf32, #tpu.memory_space<vmem>>
      tpu.wait_dma2 semaphore(%arg11 : memref<!tpu.dma_semaphore, #tpu.memory_space<semaphore_mem>>) src(%dma_wait3A_496 : memref<1024xf32, #tpu.memory_space<vmem>>) dst(%dma_wait3A_494 : memref<1024xf32, #tpu.memory_space<hbm>>)
    }
    %scan3A_8 = arith.constant 13 : i32
    return
  }
}

module attributes {stable_mosaic.version = 14 : i64} {
  func.func @_pack_body(%arg0: i32, %arg1: memref<16x2048xi8, #tpu.memory_space<vmem>>, %arg2: memref<16x2048xf32, #tpu.memory_space<vmem>>, %arg3: memref<256x128xf32, #tpu.memory_space<vmem>>) attributes {dimension_semantics = [#tpu.dimension_semantics<arbitrary>], iteration_bounds = array<i64: 489>, scalar_prefetch = 0 : i64, scratch_operands = 0 : i64, tpu.core_type = #tpu.core_type<tc>, window_params = [{transform_indices = @transform_0, window_bounds = array<i64: 16, 2048>}, {transform_indices = @transform_1, window_bounds = array<i64: 16, 2048>}, {transform_indices = @transform_2, window_bounds = array<i64: 256, 128>}]} {
    %iota3A = tpu.iota {dimensions = array<i32: 0>} : vector<16x16xi32>
    %iota3A_0 = tpu.iota {dimensions = array<i32: 1>} : vector<16x16xi32>
    %eq3A = arith.cmpi eq, %iota3A, %iota3A_0 : vector<16x16xi32>
    %convert_element_type3A = arith.extui %eq3A : vector<16x16xi1> to vector<16x16xi32>
    %convert_element_type3A_1 = arith.sitofp %convert_element_type3A : vector<16x16xi32> to vector<16x16xf32>
    %get3A = arith.constant 0 : index
    %get3A_2 = arith.constant 0 : index
    %get3A_3 = vector.load %arg2[%get3A, %get3A_2] : memref<16x2048xf32, #tpu.memory_space<vmem>>, vector<16x2048xf32>
    %dot_general3A = arith.constant dense<0.000000e+00> : vector<2048x16xf32>
    %dot_general3A_4 = tpu.matmul %get3A_3, %convert_element_type3A_1, %dot_general3A {dimension_numbers = #tpu.dot_dimension_numbers<[0], [0], [1], [1], [0, 1, 1, 1], [], []>, precision = #tpu.contract_precision<fp32>, transpose_lhs_hint = false} : vector<16x2048xf32>, vector<16x16xf32>, vector<2048x16xf32> -> vector<2048x16xf32>
    %get3A_5 = arith.constant 0 : index
    %get3A_6 = arith.constant 0 : index
    %get3A_7 = vector.load %arg1[%get3A_5, %get3A_6] : memref<16x2048xi8, #tpu.memory_space<vmem>>, vector<16x2048xi8>
    %convert_element_type3A_8 = arith.sitofp %get3A_7 : vector<16x2048xi8> to vector<16x2048xf32>
    %dot_general3A_9 = arith.constant dense<0.000000e+00> : vector<2048x16xf32>
    %dot_general3A_10 = tpu.matmul %convert_element_type3A_8, %convert_element_type3A_1, %dot_general3A_9 {dimension_numbers = #tpu.dot_dimension_numbers<[0], [0], [1], [1], [0, 1, 1, 1], [], []>, precision = #tpu.contract_precision<fp32>, transpose_lhs_hint = false} : vector<16x2048xf32>, vector<16x16xf32>, vector<2048x16xf32> -> vector<2048x16xf32>
    %ne3A = arith.constant 0.000000e+00 : f32
    %ne3A_11 = vector.broadcast %ne3A : f32 to vector<2048x16xf32>
    %ne3A_12 = arith.cmpf one, %dot_general3A_10, %ne3A_11 : vector<2048x16xf32>
    %jit3A = arith.constant 0x7FC00000 : f32
    %broadcast_in_dim3A = vector.broadcast %jit3A : f32 to vector<2048x16xf32>
    %select_n3A = arith.select %ne3A_12, %dot_general3A_4, %broadcast_in_dim3A : vector<2048x16xi1>, vector<2048x16xf32>
    %reshape3A = vector.shape_cast %select_n3A : vector<2048x16xf32> to vector<256x8x16xf32>
    %slice3A = vector.extract_strided_slice %reshape3A {offsets = [0, 0, 0], sizes = [256, 1, 16], strides = [1, 1, 1]} : vector<256x8x16xf32> to vector<256x1x16xf32>
    %squeeze3A = vector.shape_cast %slice3A : vector<256x1x16xf32> to vector<256x16xf32>
    %swap3A = arith.constant 0 : index
    %swap3A_13 = arith.constant 0 : index
    %swap3A_14 = vector.load %arg3[%swap3A, %swap3A_13] : memref<256x128xf32, #tpu.memory_space<vmem>>, vector<256x16xf32>
    tpu.vector_store %arg3[%swap3A, %swap3A_13], %squeeze3A {strides = array<i32>} : memref<256x128xf32, #tpu.memory_space<vmem>>, vector<256x16xf32>,
    %slice3A_15 = vector.extract_strided_slice %reshape3A {offsets = [0, 1, 0], sizes = [256, 1, 16], strides = [1, 1, 1]} : vector<256x8x16xf32> to vector<256x1x16xf32>
    %squeeze3A_16 = vector.shape_cast %slice3A_15 : vector<256x1x16xf32> to vector<256x16xf32>
    %swap3A_17 = arith.constant 0 : index
    %swap3A_18 = arith.constant 16 : index
    %swap3A_19 = vector.load %arg3[%swap3A_17, %swap3A_18] : memref<256x128xf32, #tpu.memory_space<vmem>>, vector<256x16xf32>
    tpu.vector_store %arg3[%swap3A_17, %swap3A_18], %squeeze3A_16 {strides = array<i32>} : memref<256x128xf32, #tpu.memory_space<vmem>>, vector<256x16xf32>,
    %slice3A_20 = vector.extract_strided_slice %reshape3A {offsets = [0, 2, 0], sizes = [256, 1, 16], strides = [1, 1, 1]} : vector<256x8x16xf32> to vector<256x1x16xf32>
    %squeeze3A_21 = vector.shape_cast %slice3A_20 : vector<256x1x16xf32> to vector<256x16xf32>
    %swap3A_22 = arith.constant 0 : index
    %swap3A_23 = arith.constant 32 : index
    %swap3A_24 = vector.load %arg3[%swap3A_22, %swap3A_23] : memref<256x128xf32, #tpu.memory_space<vmem>>, vector<256x16xf32>
    tpu.vector_store %arg3[%swap3A_22, %swap3A_23], %squeeze3A_21 {strides = array<i32>} : memref<256x128xf32, #tpu.memory_space<vmem>>, vector<256x16xf32>,
    %slice3A_25 = vector.extract_strided_slice %reshape3A {offsets = [0, 3, 0], sizes = [256, 1, 16], strides = [1, 1, 1]} : vector<256x8x16xf32> to vector<256x1x16xf32>
    %squeeze3A_26 = vector.shape_cast %slice3A_25 : vector<256x1x16xf32> to vector<256x16xf32>
    %swap3A_27 = arith.constant 0 : index
    %swap3A_28 = arith.constant 48 : index
    %swap3A_29 = vector.load %arg3[%swap3A_27, %swap3A_28] : memref<256x128xf32, #tpu.memory_space<vmem>>, vector<256x16xf32>
    tpu.vector_store %arg3[%swap3A_27, %swap3A_28], %squeeze3A_26 {strides = array<i32>} : memref<256x128xf32, #tpu.memory_space<vmem>>, vector<256x16xf32>,
    %slice3A_30 = vector.extract_strided_slice %reshape3A {offsets = [0, 4, 0], sizes = [256, 1, 16], strides = [1, 1, 1]} : vector<256x8x16xf32> to vector<256x1x16xf32>
    %squeeze3A_31 = vector.shape_cast %slice3A_30 : vector<256x1x16xf32> to vector<256x16xf32>
    %swap3A_32 = arith.constant 0 : index
    %swap3A_33 = arith.constant 64 : index
    %swap3A_34 = vector.load %arg3[%swap3A_32, %swap3A_33] : memref<256x128xf32, #tpu.memory_space<vmem>>, vector<256x16xf32>
    tpu.vector_store %arg3[%swap3A_32, %swap3A_33], %squeeze3A_31 {strides = array<i32>} : memref<256x128xf32, #tpu.memory_space<vmem>>, vector<256x16xf32>,
    %slice3A_35 = vector.extract_strided_slice %reshape3A {offsets = [0, 5, 0], sizes = [256, 1, 16], strides = [1, 1, 1]} : vector<256x8x16xf32> to vector<256x1x16xf32>
    %squeeze3A_36 = vector.shape_cast %slice3A_35 : vector<256x1x16xf32> to vector<256x16xf32>
    %swap3A_37 = arith.constant 0 : index
    %swap3A_38 = arith.constant 80 : index
    %swap3A_39 = vector.load %arg3[%swap3A_37, %swap3A_38] : memref<256x128xf32, #tpu.memory_space<vmem>>, vector<256x16xf32>
    tpu.vector_store %arg3[%swap3A_37, %swap3A_38], %squeeze3A_36 {strides = array<i32>} : memref<256x128xf32, #tpu.memory_space<vmem>>, vector<256x16xf32>,
    %slice3A_40 = vector.extract_strided_slice %reshape3A {offsets = [0, 6, 0], sizes = [256, 1, 16], strides = [1, 1, 1]} : vector<256x8x16xf32> to vector<256x1x16xf32>
    %squeeze3A_41 = vector.shape_cast %slice3A_40 : vector<256x1x16xf32> to vector<256x16xf32>
    %swap3A_42 = arith.constant 0 : index
    %swap3A_43 = arith.constant 96 : index
    %swap3A_44 = vector.load %arg3[%swap3A_42, %swap3A_43] : memref<256x128xf32, #tpu.memory_space<vmem>>, vector<256x16xf32>
    tpu.vector_store %arg3[%swap3A_42, %swap3A_43], %squeeze3A_41 {strides = array<i32>} : memref<256x128xf32, #tpu.memory_space<vmem>>, vector<256x16xf32>,
    %slice3A_45 = vector.extract_strided_slice %reshape3A {offsets = [0, 7, 0], sizes = [256, 1, 16], strides = [1, 1, 1]} : vector<256x8x16xf32> to vector<256x1x16xf32>
    %squeeze3A_46 = vector.shape_cast %slice3A_45 : vector<256x1x16xf32> to vector<256x16xf32>
    %swap3A_47 = arith.constant 0 : index
    %swap3A_48 = arith.constant 112 : index
    %swap3A_49 = vector.load %arg3[%swap3A_47, %swap3A_48] : memref<256x128xf32, #tpu.memory_space<vmem>>, vector<256x16xf32>
    tpu.vector_store %arg3[%swap3A_47, %swap3A_48], %squeeze3A_46 {strides = array<i32>} : memref<256x128xf32, #tpu.memory_space<vmem>>, vector<256x16xf32>,
    return
  }
  func.func @transform_0(%arg0: i32) -> (i32, i32) {
    %c0_i32 = arith.constant 0 : i32
    %c0_i32_0 = arith.constant 0 : i32
    return %c0_i32, %arg0 : i32, i32
  }
  func.func @transform_1(%arg0: i32) -> (i32, i32) {
    %c0_i32 = arith.constant 0 : i32
    %c0_i32_0 = arith.constant 0 : i32
    return %c0_i32, %arg0 : i32, i32
  }
  func.func @transform_2(%arg0: i32) -> (i32, i32) {
    %c0_i32 = arith.constant 0 : i32
    %c0_i32_0 = arith.constant 0 : i32
    return %arg0, %c0_i32 : i32, i32
  }
}

</mosaic_0001>

<sc_bundles>
// kernel: kernel.4.cloned.1.call-start
scs
__scs_entry_jumppad:
0x0: {  	(pc) =	sbr.rel $0x88, $3  }
0x1: {  	(tag) =	ssettag $0x0;
	lr =	simm.s32 $0x1  }
0x2: {  	[smem:$0x3F9D] =	sst lr;
	_ =	strace $0xD0000000  }
0x3: {  	_ = 	snop  }
0x4: {  	_ = 	snop  }
0x5: {  	_ = 	snop  }
0x6: {  	_ = 	snop  }
0x7: {  	_ = 	snop  }
__scs_overlays_trampoline_lowered:
0x8: {  	[smem:$0x3FAC] =	sst s0  }
0x9: {  	[smem:$0x3FAD] =	sst s1  }
0xa: {  	[smem:$0x3FAE] =	sst s2  }
0xb: {  	[smem:$0x3FAF] =	sst s3  }
0xc: {  	[smem:$0x3FB0] =	sst s4  }
0xd: {  	[smem:$0x3FB1] =	sst s5  }
0xe: {  	[smem:$0x3FB2] =	sst s6  }
0xf: {  	[smem:$0x3FB3] =	sst s7  }
0x10: {  	[smem:$0x3FB4] =	sst s8  }
0x11: {  	[smem:$0x3FB5] =	sst s9;
	s0 =	simm.s32 @!p0 $0x0  }
0x12: {  	s1 =	sld [smem:$0x3F9B];
	s0 =	simm.s32 @p0 $0x1  }
0x13: {  	[smem:$0x3FB6] =	sst s0;
	s0 =	simm.s32 @!p1 $0x0  }
0x14: {  	s2 =	sld [smem:$0x3F9A];
	s0 =	simm.s32 @p1 $0x1  }
0x15: {  	[smem:$0x3FB7] =	sst s0;
	s0 =	simm.s32 @!p2 $0x0  }
0x16: {  	s3 =	sld [smem:$0x3FDB];
	s0 =	simm.s32 @p2 $0x1  }
0x17: {  	s4 =	simm.s32 $0x1BF5;
	[smem:$0x3FB9] =	sst s0  }
0x18: {  	s0 =	sld [smem:$0x3F9C];
	_ =	swait.ge [sflag:s4], $0x0  }
0x19: {  	s7 =	sld [smem:$0x3F9D]  }
0x1a: {  	s8 =	sadd.s32 $0xFFFFE003, lr  }
0x1b: {  	s9 =	sadd.s32 $0xFFFFFEF7, lr;
	s5 =	simm.s32 $0xFFFFFFFF;
	p2 =	slt.u32 s8, $0xFFFFF086  }
0x1c: {  	p1 =	slt.u32 s9, $0xF7A;
	s5 =	simm.s32 @!p2 $0x0  }
0x1d: {  	s5 =	simm.s32 @p1 $0x1;
	p0 =	seq.s32 s7, s2  }
0x1e: {  	s7 =	smul.u32 @!p0 $0xF7A, s2;
	p2 =	seq.s32 @!p0 s5, $0x0  }
0x1f: {  	s9 =	smul.u32 $0xF7A, s1;
	s8 =	simm.s32 @!p0 $0x1BF5;
	p2 =	por !p2, p0  }
0x20: {  	[sflag:s8] =	ssyncset.s32 @!p0 $0xFFFFF086;
	s6 =	sadd.s32 @!p0 s3, s7;
	s7 =	simm.s32 @!p0 $0x108  }
0x21: {  	s3 =	sadd.s32 s3, s9;
	s6 =	sadd.s32 @!p0 $0x88, s6;
	s7 =	simm.s32 @p2 $0x1082  }
0x22: {  	[simem:s7], [sflag:s8] =	dma.local @!p0 [hbm:s6], $0xF7A  }
0x23: {  	s9 =	sor.u32 $0xD0000000, s2;
	s6 =	simm.s32 $0x108;
	_ =	swait.ge @!p0 [sflag:s8], $0x0  }
0x24: {  	s3 =	sadd.s32 $0x88, s3;
	s6 =	simm.s32 @!p1 $0x1082;
	[sflag:s4] =	ssyncset.s32 $0xFFFFF086  }
0x25: {  	[simem:s6], [sflag:s4] =	dma.local [hbm:s3], $0xF7A  }
0x26: {  	[smem:$0x3F9D] =	sst s1;
	(tag) =	ssettag s2;
	_ =	strace s9  }
0x27: {  	s1 =	sld [smem:$0x3FAD]  }
0x28: {  	s2 =	sld [smem:$0x3FAE]  }
0x29: {  	s4 =	sld [smem:$0x3FB0]  }
0x2a: {  	p0 =	seq.s32 s5, $0x0;
	s5 =	sld [smem:$0x3FB1]  }
0x2b: {  	s6 =	sld [smem:$0x3FB2]  }
0x2c: {  	s7 =	sld [smem:$0x3FB3]  }
0x2d: {  	s3 =	simm.s32 $0x108;
	s8 =	sld [smem:$0x3FB4]  }
0x2e: {  	s3 =	simm.s32 @!p0 $0x1082;
	s9 =	sld [smem:$0x3FB5]  }
0x2f: {  	lr =	sadd.s32 s0, s3;
	s0 =	sld [smem:$0x3FAC]  }
0x30: {  	s3 =	sld [smem:$0x3FAF]  }
0x31: {  	[smem:$0x3FB8] =	sst s10  }
0x32: {  	s10 =	sld [smem:$0x3FB6];
	_ =	sdelay $0x3  }
0x33: {  	p0 =	seq.s32 s10, $0x1;
	s10 =	sld [smem:$0x3FB8];
	_ =	sdelay $0x3  }
0x34: {  	[smem:$0x3FB8] =	sst s10  }
0x35: {  	s10 =	sld [smem:$0x3FB7];
	_ =	sdelay $0x3  }
0x36: {  	p1 =	seq.s32 s10, $0x1;
	s10 =	sld [smem:$0x3FB8];
	_ =	sdelay $0x3  }
0x37: {  	[smem:$0x3FB8] =	sst s10  }
0x38: {  	s10 =	sld [smem:$0x3FB9]  }
0x39: {  	_ = 	snop;
	(pc) =	sbr.ind lr, $3  }
0x3a: {  	_ = 	snop  }
0x3b: {  	_ = 	snop  }
0x3c: {  	p2 =	seq.s32 s10, $0x1;
	s10 =	sld [smem:$0x3FB8]  }
0x3d: {  	_ =	shalt  }
0x3e: {  	_ =	shalt  }
0x3f: {  	_ =	shalt  }
0x40: {  	_ =	shalt  }
0x41: {  	_ =	shalt  }
0x42: {  	_ =	shalt  }
0x43: {  	_ =	shalt  }
0x44: {  	_ =	shalt  }
0x45: {  	_ =	shalt  }
0x46: {  	_ =	shalt  }
0x47: {  	_ =	shalt  }
0x48: {  	_ =	shalt  }
0x49: {  	_ =	shalt  }
0x4a: {  	_ =	shalt  }
0x4b: {  	_ =	shalt  }
0x4c: {  	_ =	shalt  }
0x4d: {  	_ =	shalt  }
0x4e: {  	_ =	shalt  }
0x4f: {  	_ =	shalt  }
0x50: {  	_ =	shalt  }
0x51: {  	_ =	shalt  }
0x52: {  	_ =	shalt  }
0x53: {  	_ =	shalt  }
0x54: {  	_ =	shalt  }
0x55: {  	_ =	shalt  }
0x56: {  	_ =	shalt  }
0x57: {  	_ =	shalt  }
0x58: {  	_ =	shalt  }
0x59: {  	_ =	shalt  }
0x5a: {  	_ =	shalt  }
0x5b: {  	_ =	shalt  }
0x5c: {  	_ =	shalt  }
0x5d: {  	_ =	shalt  }
0x5e: {  	_ =	shalt  }
0x5f: {  	_ =	shalt  }
0x60: {  	_ =	shalt  }
0x61: {  	_ =	shalt  }
0x62: {  	_ =	shalt  }
0x63: {  	_ =	shalt  }
0x64: {  	_ =	shalt  }
0x65: {  	_ =	shalt  }
0x66: {  	_ =	shalt  }
0x67: {  	_ =	shalt  }
0x68: {  	_ =	shalt  }
0x69: {  	_ =	shalt  }
0x6a: {  	_ =	shalt  }
0x6b: {  	_ =	shalt  }
0x6c: {  	_ =	shalt  }
0x6d: {  	_ =	shalt  }
0x6e: {  	_ =	shalt  }
0x6f: {  	_ =	shalt  }
0x70: {  	_ =	shalt  }
0x71: {  	_ =	shalt  }
0x72: {  	_ =	shalt  }
0x73: {  	_ =	shalt  }
0x74: {  	_ =	shalt  }
0x75: {  	_ =	shalt  }
0x76: {  	_ =	shalt  }
0x77: {  	_ =	shalt  }
0x78: {  	_ =	shalt  }
0x79: {  	_ =	shalt  }
0x7a: {  	_ =	shalt  }
0x7b: {  	_ =	shalt  }
0x7c: {  	_ =	shalt  }
0x7d: {  	_ =	shalt  }
0x7e: {  	_ =	shalt  }
0x7f: {  	_ =	shalt  }
0x80: {  	_ =	shalt  }
0x81: {  	_ =	shalt  }
0x82: {  	_ =	shalt  }
0x83: {  	_ =	shalt  }
0x84: {  	_ =	shalt  }
0x85: {  	_ =	shalt  }
0x86: {  	_ =	shalt  }
0x87: {  	_ =	shalt  }
.Lfunc_end0:
.L_simem_size_0:
called_computation_lowered:
.L_overlay_start_0:
0x88: {  	s2 =	sld [smem:$0x3FD9]  }
0x89: {  	s3 =	sld [smem:$0x3FFE];
	_ =	sdelay $0x1  }
0x8a: {  	s1 =	srdreg.scid  }
0x8b: {  	s0 =	sand.u32 $0x1, s1  }
0x8c: {  	s17 =	sshll.u32 s0, $0xA;
	s2 =	sadd.s32 s3, s2  }
0x8d: {  	s2 =	sadd.s32 s2, s17  }
0x8e: {  	[smem:$0x3FC4] =	sst s2  }
0x8f: {  	_ = 	snop  }
0x90: {  	s2 =	sld [smem:$0x3FD0];
	(tm) =	ssettm $0x1  }
0x91: {  	s18 =	sld [smem:$0x3FFB];
	_ =	sdelay $0x3  }
0x92: {  	_ =	strace s18  }
0x93: {  	s3 =	sld [smem:$0x3FFC];
	_ =	sdelay $0x3  }
0x94: {  	_ =	strace s3  }
0x95: {  	s3 =	sld [smem:$0x3FFD];
	_ =	sdelay $0x3  }
0x96: {  	_ =	strace s3  }
0x97: {  	_ =	strace $0x8FFFFFFF  }
0x98: {  	s19 =	sld [smem:$0x3FDB];
	_ =	sdelay $0x1  }
0x99: {  	s4 =	simm.s32 $_scs_section_size  }
0x9a: {  	s5 =	simm.s32 $_size__tile_overlayer_lowered;
	s6 =	simm.s32 $_tile_overlayer_lowered  }
0x9b: {  	s22 =	simm.s32 $0x1BFF;
	s21 =	sshll.u32 s6, $0x1;
	s3 =	sadd.s32 s4, s19  }
0x9c: {  	s7 =	simm.s32 $0x0;
	s20 =	sshll.u32 s5, $0x1;
	s5 =	sadd.s32 s21, s3  }
0x9d: {  	[timem:s7], [sflag:s22] =	dma.local [hbm:s5], s20  }
0x9e: {  	_ =	swait.ge [sflag:s22], s20  }
0x9f: {  	s4 =	ssub.s32 $0x0, s20;
	[sflag:s22] =	ssyncset.done $0x0  }
0xa0: {  	[sflag:s22] =	ssyncadd.s32 s4;
	_ =	sdelay $0x1  }
0xa1: {  	s23 =	simm.s32 $0x1B8B  }
0xa2: {  	_ =	swait.ge [sflag:s23], $0x1  }
0xa3: {  	[sflag:s23] =	ssyncset.done $0x0  }
0xa4: {  	s25 =	simm.s32 $0x1B8E;
	s24 =	sld [smem:$0x3FFE];
	[sflag:s23] =	ssyncadd.s32 $0xFFFFFFFF  }
0xa5: {  	s26 =	simm.s32 $execute0_lowered;
	[smem:$0x3FD2] =	sst s25  }
0xa6: {  	s5 =	sshll.u32 s26, $0x1;
	_ =	strace $0x80000046;
	[dreg:$0x1] =	wrdreg $0xFFFFFFFF  }
0xa7: {  	s28 =	simm.s32 $_size_execute0_lowered;
	s3 =	sadd.s32 s3, s5;
	[dreg:$0x0] =	wrdreg $0x0  }
0xa8: {  	s5 =	sshll.u32 s28, $0x1;
	[dreg:$0x2] =	wrdreg s3  }
0xa9: {  	[dreg:$0x3] =	wrdreg s5  }
0xaa: {  	[dreg:$0x4] =	wrdreg $0xC0  }
0xab: {  	_ =	task [dreg:s7], $0x5FFFF  }
0xac: {  	[dreg:$0x1] =	wrdreg $0xFFFFFFFF  }
0xad: {  	[dreg:$0x0] =	wrdreg $0x60  }
0xae: {  	[dreg:$0x2] =	wrdreg s2  }
0xaf: {  	[dreg:$0x3] =	wrdreg s24  }
0xb0: {  	[dreg:$0x4] =	wrdreg $0x9  }
0xb1: {  	_ =	task.clear_ibuf [dreg:s7], $0x5FFFF;
	_ =	strace $0x90000046  }
0xb2: {  	s29 =	simm.s32 $0x9;
	_ =	strace $0x80000048  }
0xb3: {  	_ =	swait.ge [sflag:s29], $0x1  }
0xb4: {  	[sflag:s29] =	ssyncadd.s32 $0xFFFFFFFF  }
0xb5: {  	_ =	strace $0x90000048  }
0xb6: {  	_ =	sfence  }
0xb7: {  	s30 =	sld [smem:$0x0];
	_ =	sdelay $0x2  }
0xb8: {  	s31 =	sshll.u32 s1, $0xD;
	s1 =	sshrl.u32 s1, $0x2  }
0xb9: {  	s3 =	sand.u32 $0x4000, s31;
	s1 =	sadd.s32 s1, s30  }
0xba: {  	s0 =	sor.u32 s3, s0;
	s1 =	sshll.u32 s1, $0x11  }
0xbb: {  	s0 =	sor.u32 s1, s0  }
0xbc: {  	s0 =	sadd.s32 $0x8F2B, s0  }
0xbd: {  	[sflag:s0] =	ssyncadd.remote.s32 $0x1  }
0xbe: {  	_ =	sfence.sel $0xFFFF  }
0xbf: {  	[dreg:$0x0] =	wrdreg $0xFFFFFFFF;
	(pc) =	sbr.abs _section_cstart, $3  }
0xc0: {  	[dreg:$0x1] =	wrdreg $0xFFFFFFFF  }
0xc1: {  	_ =	task.clear_ibuf [dreg:s7], $0x2FFFF;
	_ =	strace $0x9FFFFFFF  }
0xc2: {  	(tm) =	ssettm $0x7FFFFFFF  }
0xc3: {  	_ =	shalt  }
tec
execute0_lowered:
.L_overlay_start_1:
0x0: {  	(tag) =	ssettag $0x1  }
0x1: {  	s0 =	rddreg [dreg:$0x1];
	s3 =	simm.s32 $0x0  }
0x2: {  	s1 =	srdreg.scid;
	[smem:$0x7FF] =	sst s3  }
0x3: {  	s4 =	sadd.s32 $0x400, s0;
	s5 =	sadd.s32 $0x1E8C00, s0;
	s6 =	sadd.s32 $0x600, s0  }
0x4: {  	s2 =	stileid.u32;
	s8 =	sadd.s32 $0x1E9400, s0;
	s9 =	sadd.s32 $0x1E9C00, s0  }
0x5: {  	s25 =	simm.s32 $0x3;
	s10 =	sadd.s32 $0x1EA400, s0;
	s11 =	sadd.s32 $0x1EAC00, s0  }
0x6: {  	s26 =	simm.s32 $0x80;
	s12 =	sadd.s32 $0x1EB400, s0;
	s13 =	sadd.s32 $0x1EBC00, s0  }
0x7: {  	s31 =	simm.s32 $0x2;
	s14 =	sadd.s32 $0x1EC400, s0;
	s15 =	sadd.s32 $0x1ECC00, s0  }
0x8: {  	s1 =	sand.u32 $0x1, s1;
	s16 =	sadd.s32 $0x1ED400, s0;
	s17 =	sadd.s32 $0x1EDC00, s0  }
0x9: {  	s2 =	sshll.u32 s2, $0x1;
	s18 =	sadd.s32 $0x1EE400, s0;
	s19 =	sadd.s32 $0x1EEC00, s0  }
0xa: {  	s20 =	sadd.s32 $0x1EF400, s0;
	s2 =	sor.u32 s1, s2;
	s1 =	ssub.s32 $0x2, s1  }
0xb: {  	s21 =	sadd.s32 $0x1EFC00, s0;
	s22 =	sadd.s32 $0x1F0400, s0;
	s29 =	sshrl.u32 s1, $0x1  }
0xc: {  	s0 =	simm.s32 $0x1;
	_ =	strace $0x80000047;
	s1 =	ssub.s32 s1, s29  }
0xd: {  	v0 =	vlaneseq.u32;
	[dreg:$0x3] =	wrdreg s4;
	s4 =	simm.s32 $0x0;
	s30 =	smax.u32 s1, $0x1  }
0xe: {  	v0 =	vmul.u32 $0x400, v0;
	s7 =	smul.u32 $0xD, s2;
	s2 =	simm.s32 $0x4400;
	[dreg:$0x4] =	wrdreg s30  }
.LBB2_1:
0xf: {  	[dreg:$0x5] =	wrdreg s4  }
0x10: {  	s1 =	rddreg [dreg:$0x3];
	s30 =	simm.s32 $0x8400  }
0x11: {  	[tilespmem:s30], [sflag:$0x3] =	stream.linear.gather [hbm4b:s1+s3], $0x1A0, $0x38;
	[tilespmem:$0x85A0] =	vst v63  }
0x12: {  	_ =	swait.ge [sflag:s25], $0x1A0  }
0x13: {  	[sflag:s25] =	ssyncset.done $0x0  }
0x14: {  	s24 =	simm.s32 $0x0;
	[sflag:s25] =	ssyncadd.s32 $0xFFFFFE60  }
.LBB2_2:
0x15: {  	s1 =	sadd.s32 s7, s24  }
0x16: {  	s4 =	sshrl.u32 s1, $0x4;
	s1 =	sshll.u32 s1, $0xA  }
0x17: {  	s23 =	sand.u32 $0x3C00, s1;
	s30 =	sshll.u32 s4, $0xE  }
0x18: {  	s1 =	sor.u32 s23, s30  }
0x19: {  	s28 =	rddreg [dreg:$0x0];
	s1 =	sshrl.u32 s1, $0x3  }
0x1a: {  	s28 =	sadd.s32 s28, s1;
	s1 =	simm.s32 $0x0  }
0x1b: {  	[tilespmem:s1], [sflag:$0x3] =	stream.linear.gather [hbm4b:s28+s1], $0x400, $0x38;
	[tilespmem:$0x85A0] =	vst v63  }
0x1c: {  	_ =	swait.ge [sflag:s25], $0x400  }
0x1d: {  	[sflag:s25] =	ssyncset.done $0x0  }
0x1e: {  	s28 =	simm.s32 $0x400;
	[sflag:s25] =	ssyncadd.s32 $0xFFFFFC00  }
0x1f: {  	[tilespmem:s28], [sflag:$0x1] =	stream.indirect.gather [hbm4b:s6+s26], $0x10, s1, s26, $0xb8;
	[tilespmem:$0x85A0] =	vst v63  }
0x20: {  	s28 =	simm.s32 $0xC00  }
0x21: {  	[tilespmem:s28], [sflag:$0x1] =	stream.indirect.gather [hbm4b:s6+s26], $0x10, s26, s26, $0xb8;
	[tilespmem:$0x85A0] =	vst v63  }
0x22: {  	s29 =	simm.s32 $0x1400;
	s28 =	simm.s32 $0x100  }
0x23: {  	[tilespmem:s29], [sflag:$0x1] =	stream.indirect.gather [hbm4b:s6+s26], $0x10, s28, s26, $0xb8;
	[tilespmem:$0x85A0] =	vst v63  }
0x24: {  	s28 =	simm.s32 $0x180;
	s29 =	simm.s32 $0x1C00  }
0x25: {  	[tilespmem:s29], [sflag:$0x1] =	stream.indirect.gather [hbm4b:s6+s26], $0x10, s28, s26, $0xb8;
	[tilespmem:$0x85A0] =	vst v63  }
0x26: {  	s28 =	simm.s32 $0x200;
	s29 =	simm.s32 $0x2400  }
0x27: {  	[tilespmem:s29], [sflag:$0x1] =	stream.indirect.gather [hbm4b:s6+s26], $0x10, s28, s26, $0xb8;
	[tilespmem:$0x85A0] =	vst v63  }
0x28: {  	s28 =	simm.s32 $0x280;
	s29 =	simm.s32 $0x2C00  }
0x29: {  	[tilespmem:s29], [sflag:$0x1] =	stream.indirect.gather [hbm4b:s6+s26], $0x10, s28, s26, $0xb8;
	[tilespmem:$0x85A0] =	vst v63  }
0x2a: {  	s28 =	simm.s32 $0x300;
	s29 =	simm.s32 $0x3400  }
0x2b: {  	[tilespmem:s29], [sflag:$0x1] =	stream.indirect.gather [hbm4b:s6+s26], $0x10, s28, s26, $0xb8;
	[tilespmem:$0x85A0] =	vst v63  }
0x2c: {  	s28 =	simm.s32 $0x380;
	s29 =	simm.s32 $0x3C00  }
0x2d: {  	[tilespmem:s29], [sflag:$0x1] =	stream.indirect.gather [hbm4b:s6+s26], $0x10, s28, s26, $0xb8;
	[tilespmem:$0x85A0] =	vst v63  }
0x2e: {  	_ =	swait.ge [sflag:s0], $0x800  }
0x2f: {  	[sflag:s0] =	ssyncset.done $0x0  }
0x30: {  	[sflag:s0] =	ssyncadd.s32 $0xFFFFF800  }
0x31: {  	_ =	swait.ge [sflag:s0], $0x800  }
0x32: {  	[sflag:s0] =	ssyncset.done $0x0  }
0x33: {  	[sflag:s0] =	ssyncadd.s32 $0xFFFFF800  }
0x34: {  	_ =	swait.ge [sflag:s0], $0x800  }
0x35: {  	[sflag:s0] =	ssyncset.done $0x0  }
0x36: {  	[sflag:s0] =	ssyncadd.s32 $0xFFFFF800  }
0x37: {  	_ =	swait.ge [sflag:s0], $0x800  }
0x38: {  	[sflag:s0] =	ssyncset.done $0x0  }
0x39: {  	[sflag:s0] =	ssyncadd.s32 $0xFFFFF800  }
0x3a: {  	_ =	swait.ge [sflag:s0], $0x800  }
0x3b: {  	[sflag:s0] =	ssyncset.done $0x0  }
0x3c: {  	[sflag:s0] =	ssyncadd.s32 $0xFFFFF800  }
0x3d: {  	_ =	swait.ge [sflag:s0], $0x800  }
0x3e: {  	[sflag:s0] =	ssyncset.done $0x0  }
0x3f: {  	[sflag:s0] =	ssyncadd.s32 $0xFFFFF800  }
0x40: {  	_ =	swait.ge [sflag:s0], $0x800  }
0x41: {  	[sflag:s0] =	ssyncset.done $0x0  }
0x42: {  	[sflag:s0] =	ssyncadd.s32 $0xFFFFF800  }
0x43: {  	_ =	swait.ge [sflag:s0], $0x800  }
0x44: {  	[sflag:s0] =	ssyncset.done $0x0  }
0x45: {  	s28 =	simm.s32 $0x420;
	[sflag:s0] =	ssyncadd.s32 $0xFFFFF800  }
0x46: {  	v2 =	vor.u32 s1, v0;
	s29 =	simm.s32 $0x4;
	v1 =	vld [tilespmem:s28+$0xFFFFFFE0]  }
.LBB2_3:
0x47: {  	p0 =	slt.u32 s29, $0x3FC;
	_ =	sdelay $0x3  }
0x48: {  	s30 =	sadd.s32 $0x1, s1;
	[tilespmem:v2+s2+$0x0] =	vst.idx.msk $0xffff, v1  }
0x49: {  	v2 =	vor.u32 s30, v0;
	v1 =	vld [tilespmem:s28+$0xFFFFFFF0];
	_ =	sdelay $0x4  }
0x4a: {  	s30 =	sadd.s32 $0x2, s1;
	[tilespmem:v2+s2+$0x0] =	vst.idx.msk $0xffff, v1  }
0x4b: {  	v2 =	vor.u32 s30, v0;
	v1 =	vld [tilespmem:s28+$0x0];
	_ =	sdelay $0x4  }
0x4c: {  	s30 =	sadd.s32 $0x3, s1;
	s1 =	smov.u32 s29;
	[tilespmem:v2+s2+$0x0] =	vst.idx.msk $0xffff, v1  }
0x4d: {  	v2 =	vor.u32 s30, v0;
	v1 =	vld [tilespmem:s28+$0x10];
	_ =	sdelay $0x1  }
.Ltmp0:
0x4e: {  	(pc) =	sbr.rel @p0 .LBB2_3-.Ltmp0, $3  }
0x4f: {  	_ =	sdelay $0x1  }
0x50: {  	s28 =	sadd.s32 $0x40, s28;
	[tilespmem:v2+s2+$0x0] =	vst.idx.msk $0xffff, v1  }
0x51: {  	s29 =	sadd.s32 $0x4, s29;
	v2 =	vor.u32 s1, v0;
	v1 =	vld [tilespmem:s28+$0xFFFFFFE0]  }
0x52: {  	_ =	sdelay $0x3  }
0x53: {  	s29 =	sadd.s32 $0x1, s1;
	[tilespmem:v2+s2+$0x0] =	vst.idx.msk $0xffff, v1  }
0x54: {  	v2 =	vor.u32 s29, v0;
	v1 =	vld [tilespmem:s28+$0xFFFFFFF0];
	_ =	sdelay $0x4  }
0x55: {  	s30 =	sadd.s32 $0x2, s1;
	[tilespmem:v2+s2+$0x0] =	vst.idx.msk $0xffff, v1  }
0x56: {  	v1 =	vor.u32 s30, v0;
	v2 =	vld [tilespmem:s28+$0x0];
	_ =	sdelay $0x4  }
0x57: {  	s30 =	sadd.s32 $0x3, s1;
	[tilespmem:v1+s2+$0x0] =	vst.idx.msk $0xffff, v2  }
0x58: {  	v2 =	vor.u32 s30, v0;
	v1 =	vld [tilespmem:s28+$0x10];
	_ =	sdelay $0x1  }
0x59: {  	s4 =	sshll.u32 s4, $0x12  }
0x5a: {  	s1 =	sor.u32 s23, s4  }
0x5b: {  	s1 =	sshrl.u32 s1, $0x3  }
0x5c: {  	s28 =	sadd.s32 s5, s1;
	[tilespmem:v2+s2+$0x0] =	vst.idx.msk $0xffff, v1  }
0x5d: {  	[hbm4b:s28+s3] =	stream.linear.scatter [tilespmem:s2], [sflag:$0x2], $0x400, $0x38;
	[tilespmem:$0x85A0] =	vst v63  }
0x5e: {  	s29 =	sadd.s32 s1, s8;
	s30 =	simm.s32 $0x4800  }
0x5f: {  	[hbm4b:s29+s3] =	stream.linear.scatter [tilespmem:s30], [sflag:$0x2], $0x400, $0x38;
	[tilespmem:$0x85A0] =	vst v63  }
0x60: {  	s23 =	sadd.s32 s1, s9;
	s28 =	simm.s32 $0x4C00  }
0x61: {  	[hbm4b:s23+s3] =	stream.linear.scatter [tilespmem:s28], [sflag:$0x2], $0x400, $0x38;
	[tilespmem:$0x85A0] =	vst v63  }
0x62: {  	s29 =	sadd.s32 s1, s10;
	s30 =	simm.s32 $0x5000  }
0x63: {  	[hbm4b:s29+s3] =	stream.linear.scatter [tilespmem:s30], [sflag:$0x2], $0x400, $0x38;
	[tilespmem:$0x85A0] =	vst v63  }
0x64: {  	s23 =	sadd.s32 s1, s11;
	s28 =	simm.s32 $0x5400  }
0x65: {  	[hbm4b:s23+s3] =	stream.linear.scatter [tilespmem:s28], [sflag:$0x2], $0x400, $0x38;
	[tilespmem:$0x85A0] =	vst v63  }
0x66: {  	s29 =	sadd.s32 s1, s12;
	s30 =	simm.s32 $0x5800  }
0x67: {  	[hbm4b:s29+s3] =	stream.linear.scatter [tilespmem:s30], [sflag:$0x2], $0x400, $0x38;
	[tilespmem:$0x85A0] =	vst v63  }
0x68: {  	s23 =	sadd.s32 s1, s13;
	s28 =	simm.s32 $0x5C00  }
0x69: {  	[hbm4b:s23+s3] =	stream.linear.scatter [tilespmem:s28], [sflag:$0x2], $0x400, $0x38;
	[tilespmem:$0x85A0] =	vst v63  }
0x6a: {  	s29 =	sadd.s32 s1, s14;
	s30 =	simm.s32 $0x6000  }
0x6b: {  	[hbm4b:s29+s3] =	stream.linear.scatter [tilespmem:s30], [sflag:$0x2], $0x400, $0x38;
	[tilespmem:$0x85A0] =	vst v63  }
0x6c: {  	s23 =	sadd.s32 s1, s15;
	s28 =	simm.s32 $0x6400  }
0x6d: {  	[hbm4b:s23+s3] =	stream.linear.scatter [tilespmem:s28], [sflag:$0x2], $0x400, $0x38;
	[tilespmem:$0x85A0] =	vst v63  }
0x6e: {  	s29 =	sadd.s32 s1, s16;
	s30 =	simm.s32 $0x6800  }
0x6f: {  	[hbm4b:s29+s3] =	stream.linear.scatter [tilespmem:s30], [sflag:$0x2], $0x400, $0x38;
	[tilespmem:$0x85A0] =	vst v63  }
0x70: {  	s23 =	sadd.s32 s1, s17;
	s28 =	simm.s32 $0x6C00  }
0x71: {  	[hbm4b:s23+s3] =	stream.linear.scatter [tilespmem:s28], [sflag:$0x2], $0x400, $0x38;
	[tilespmem:$0x85A0] =	vst v63  }
0x72: {  	s29 =	sadd.s32 s1, s18;
	s30 =	simm.s32 $0x7000  }
0x73: {  	[hbm4b:s29+s3] =	stream.linear.scatter [tilespmem:s30], [sflag:$0x2], $0x400, $0x38;
	[tilespmem:$0x85A0] =	vst v63  }
0x74: {  	s23 =	sadd.s32 s1, s19;
	s28 =	simm.s32 $0x7400  }
0x75: {  	[hbm4b:s23+s3] =	stream.linear.scatter [tilespmem:s28], [sflag:$0x2], $0x400, $0x38;
	[tilespmem:$0x85A0] =	vst v63  }
0x76: {  	s29 =	sadd.s32 s1, s20;
	s30 =	simm.s32 $0x7800  }
0x77: {  	[hbm4b:s29+s3] =	stream.linear.scatter [tilespmem:s30], [sflag:$0x2], $0x400, $0x38;
	[tilespmem:$0x85A0] =	vst v63  }
0x78: {  	s28 =	sadd.s32 s1, s21;
	s29 =	simm.s32 $0x7C00  }
0x79: {  	[hbm4b:s28+s3] =	stream.linear.scatter [tilespmem:s29], [sflag:$0x2], $0x400, $0x38;
	[tilespmem:$0x85A0] =	vst v63  }
0x7a: {  	s1 =	sadd.s32 s1, s22;
	s30 =	simm.s32 $0x8000  }
0x7b: {  	[hbm4b:s1+s3] =	stream.linear.scatter [tilespmem:s30], [sflag:$0x2], $0x400, $0x38;
	[tilespmem:$0x85A0] =	vst v63  }
0x7c: {  	_ =	swait.ge [sflag:s31], $0x400  }
0x7d: {  	[sflag:s31] =	ssyncset.done $0x0  }
0x7e: {  	[sflag:s31] =	ssyncadd.s32 $0xFFFFFC00  }
0x7f: {  	_ =	swait.ge [sflag:s31], $0x400  }
0x80: {  	[sflag:s31] =	ssyncset.done $0x0  }
0x81: {  	[sflag:s31] =	ssyncadd.s32 $0xFFFFFC00  }
0x82: {  	_ =	swait.ge [sflag:s31], $0x400  }
0x83: {  	[sflag:s31] =	ssyncset.done $0x0  }
0x84: {  	[sflag:s31] =	ssyncadd.s32 $0xFFFFFC00  }
0x85: {  	_ =	swait.ge [sflag:s31], $0x400  }
0x86: {  	[sflag:s31] =	ssyncset.done $0x0  }
0x87: {  	[sflag:s31] =	ssyncadd.s32 $0xFFFFFC00  }
0x88: {  	_ =	swait.ge [sflag:s31], $0x400  }
0x89: {  	[sflag:s31] =	ssyncset.done $0x0  }
0x8a: {  	[sflag:s31] =	ssyncadd.s32 $0xFFFFFC00  }
0x8b: {  	_ =	swait.ge [sflag:s31], $0x400  }
0x8c: {  	[sflag:s31] =	ssyncset.done $0x0  }
0x8d: {  	[sflag:s31] =	ssyncadd.s32 $0xFFFFFC00  }
0x8e: {  	_ =	swait.ge [sflag:s31], $0x400  }
0x8f: {  	[sflag:s31] =	ssyncset.done $0x0  }
0x90: {  	[sflag:s31] =	ssyncadd.s32 $0xFFFFFC00  }
0x91: {  	_ =	swait.ge [sflag:s31], $0x400  }
0x92: {  	[sflag:s31] =	ssyncset.done $0x0  }
0x93: {  	[sflag:s31] =	ssyncadd.s32 $0xFFFFFC00  }
0x94: {  	_ =	swait.ge [sflag:s31], $0x400  }
0x95: {  	[sflag:s31] =	ssyncset.done $0x0  }
0x96: {  	[sflag:s31] =	ssyncadd.s32 $0xFFFFFC00  }
0x97: {  	_ =	swait.ge [sflag:s31], $0x400  }
0x98: {  	[sflag:s31] =	ssyncset.done $0x0  }
0x99: {  	[sflag:s31] =	ssyncadd.s32 $0xFFFFFC00  }
0x9a: {  	_ =	swait.ge [sflag:s31], $0x400  }
0x9b: {  	[sflag:s31] =	ssyncset.done $0x0  }
0x9c: {  	[sflag:s31] =	ssyncadd.s32 $0xFFFFFC00  }
0x9d: {  	_ =	swait.ge [sflag:s31], $0x400  }
0x9e: {  	[sflag:s31] =	ssyncset.done $0x0  }
0x9f: {  	[sflag:s31] =	ssyncadd.s32 $0xFFFFFC00  }
0xa0: {  	_ =	swait.ge [sflag:s31], $0x400  }
0xa1: {  	[sflag:s31] =	ssyncset.done $0x0  }
0xa2: {  	[sflag:s31] =	ssyncadd.s32 $0xFFFFFC00  }
0xa3: {  	_ =	swait.ge [sflag:s31], $0x400  }
0xa4: {  	[sflag:s31] =	ssyncset.done $0x0  }
0xa5: {  	s24 =	sadd.s32 $0x1, s24;
	[sflag:s31] =	ssyncadd.s32 $0xFFFFFC00  }
0xa6: {  	p0 =	sne.s32 s24, $0xD;
	_ =	swait.ge [sflag:s31], $0x400  }
.Ltmp1:
0xa7: {  	[sflag:s31] =	ssyncset.done $0x0;
	(pc) =	sbr.rel @p0 .LBB2_2-.Ltmp1, $4  }
0xa8: {  	[sflag:s31] =	ssyncadd.s32 $0xFFFFFC00  }
0xa9: {  	_ =	swait.ge [sflag:s31], $0x400  }
0xaa: {  	[sflag:s31] =	ssyncset.done $0x0  }
0xab: {  	[sflag:s31] =	ssyncadd.s32 $0xFFFFFC00  }
0xac: {  	s4 =	rddreg [dreg:$0x5]  }
0xad: {  	s1 =	rddreg [dreg:$0x4];
	s4 =	sadd.s32 $0x1, s4  }
0xae: {  	p0 =	sne.s32 s4, s1  }
.Ltmp2:
0xaf: {  	_ = 	snop;
	(pc) =	sbr.rel @p0 .LBB2_1-.Ltmp2, $1  }
0xb0: {  	_ =	sdelay $0x3  }
0xb1: {  	_ =	sfence.sel $0x180000  }
0xb2: {  	[bflag:$0x0] =	sbarrier.arrive $0xFFFF  }
0xb3: {  	_ =	strace $0x90000047  }
0xb4: {  	s0 =	stileid.u32;
	[bflag:$0x2] =	sbarrier.arrive $0xFFFF  }
0xb5: {  	p0 =	sne.s32 s0, $0x0;
	s0 =	rddreg [dreg:$0x2]  }
0xb6: {  	s0 =	sadd.s32 @!p0 $0x100000, s0  }
0xb7: {  	[sflag:s0] =	ssyncadd.tile.s32 @!p0 $0x1;
	_ =	shalt  }
.Lfunc_end2:
_tile_overlayer_lowered:
.L_overlay_start_2:
0xb8: {  	(tag) =	ssettag $0x2  }
0xb9: {  	s0 =	rddreg [dreg:$0x0];
	s2 =	stileid.u32  }
0xba: {  	s1 =	rddreg [dreg:$0x1];
	p0 =	sne.s32 s2, $0x0  }
0xbb: {  	s3 =	rddreg [dreg:$0x2];
	[bflag:$0x3] =	sbarrier.arrive $0xFFFF;
	s2 =	simm.s32 @!p0 $0x1C03  }
0xbc: {  	[timem:s3], [sflag:s2] =	dma.local @!p0 [hbm:s0], s1  }
0xbd: {  	s0 =	simm.s32 @!p0 $0x3  }
0xbe: {  	_ =	swait.ge @!p0 [sflag:s0], s1  }
0xbf: {  	s1 =	ssub.s32 @!p0 $0x0, s1;
	[sflag:s0] =	ssyncset.done @!p0 $0x0  }
0xc0: {  	[sflag:s0] =	ssyncadd.s32 @!p0 s1  }
0xc1: {  	[bflag:$0x3] =	sbarrier.arrive $0xFFFF  }
0xc2: {  	_ =	shalt  }

</sc_bundles>
